<compile_context>
chip_gen: v7x
topology: tpu7x:2x2x1
jax: 0.10.2.dev20260603
libtpu: 0.0.44.dev20260713+nightly
codegen_flags: <defaults>
</compile_context>

<pallas_src>
import functools

import jax
import jax.numpy as jnp
from jax import lax
from jax.experimental import pallas as pl
from jax.experimental.pallas import tpu as pltpu
from jax.experimental.pallas import tpu_sc as plsc

EMB = 300
HID = 150
N_NODES = 10000
N_EDGES = 320000
DPAD = 152
NWORKERS = 32
EPW = N_EDGES // NWORKERS
KCH = 80
NCH = EPW // KCH
ECH = 96
ENCH = 105
EPWP = ECH * ENCH
N_ACC = N_NODES + 8

TPAD = 304
N_LOOKUP = 9600 + 20000
GCH = 12
N_LOOKUP_PAD = NWORKERS * GCH * KCH
LPW = GCH * KCH

_SC_MESH = plsc.VectorSubcoreMesh(core_axis_name="c", subcore_axis_name="s")



@functools.partial(
    pl.kernel,
    out_type=jax.ShapeDtypeStruct((2, N_NODES), jnp.float32),
    mesh=_SC_MESH,
    compiler_params=pltpu.CompilerParams(use_tc_tiling_on_sc=False),
    scratch_types=[
        pltpu.VMEM((NCH, KCH), jnp.int32),
        pltpu.VMEM((KCH,), jnp.float32),
        pltpu.VMEM_SHARED((N_NODES,), jnp.float32),
    ],
)
def _sc_degree(dst_hbm, zero_hbm, out_hbm, dst_v, ones_v, acc):
    c = lax.axis_index("c")
    s = lax.axis_index("s")
    wid = c * 16 + s

    @pl.when(s == 0)
    def _():
        pltpu.sync_copy(zero_hbm, acc)

    pltpu.sync_copy(dst_hbm.at[wid], dst_v)

    def fill(i, carry):
        ones_v[pl.ds(i * 16, 16)] = jnp.ones((16,), jnp.float32)
        return carry

    lax.fori_loop(0, KCH // 16, fill, 0)
    plsc.subcore_barrier()

    def body(j, carry):
        pltpu.sync_copy(ones_v, acc.at[dst_v.at[j]], add=True)
        return carry

    lax.fori_loop(0, NCH, body, 0)
    plsc.subcore_barrier()

    @pl.when(s == 0)
    def _():
        pltpu.sync_copy(acc, out_hbm.at[c])


@functools.partial(
    pl.kernel,
    out_type=jax.ShapeDtypeStruct((2, N_NODES, DPAD), jnp.float32),
    mesh=_SC_MESH,
    compiler_params=pltpu.CompilerParams(use_tc_tiling_on_sc=False),
    scratch_types=[
        pltpu.VMEM((ENCH, ECH), jnp.int32),
        pltpu.VMEM((ENCH, ECH), jnp.int32),
        pltpu.VMEM((ECH, DPAD), jnp.float32),
        pltpu.VMEM_SHARED((N_ACC, DPAD), jnp.float32),
    ],
)
def _sc_edge_prop(src_hbm, dst_hbm, y_hbm, zero_hbm, out_hbm,
                  src_v, dst_v, rows_v, acc):
    c = lax.axis_index("c")
    s = lax.axis_index("s")
    wid = c * 16 + s

    @pl.when(s == 0)
    def _():
        pltpu.sync_copy(zero_hbm, acc)

    pltpu.sync_copy(src_hbm.at[wid], src_v)
    pltpu.sync_copy(dst_hbm.at[wid], dst_v)
    plsc.subcore_barrier()

    def body(j, carry):
        pltpu.sync_copy(y_hbm.at[src_v.at[j]], rows_v)
        pltpu.sync_copy(rows_v, acc.at[dst_v.at[j]], add=True)
        return carry

    lax.fori_loop(0, ENCH, body, 0)
    plsc.subcore_barrier()
    pltpu.sync_copy(acc.at[pl.ds(s * 624, 624)],
                    out_hbm.at[c, pl.ds(s * 624, 624)])

    @pl.when(s == 15)
    def _():
        pltpu.sync_copy(acc.at[pl.ds(9984, N_NODES - 9984)],
                        out_hbm.at[c, pl.ds(9984, N_NODES - 9984)])


@functools.partial(
    pl.kernel,
    out_type=jax.ShapeDtypeStruct((N_LOOKUP_PAD, TPAD), jnp.float32),
    mesh=_SC_MESH,
    compiler_params=pltpu.CompilerParams(use_tc_tiling_on_sc=False),
    scratch_types=[
        pltpu.VMEM((GCH, KCH), jnp.int32),
        pltpu.VMEM((KCH, TPAD), jnp.float32),
    ],
)
def _sc_embed_gather(table_hbm, idx_hbm, out_hbm, idx_v, rows_v):
    c = lax.axis_index("c")
    s = lax.axis_index("s")
    wid = c * 16 + s
    pltpu.sync_copy(idx_hbm.at[wid], idx_v)

    def body(j, carry):
        pltpu.sync_copy(table_hbm.at[idx_v.at[j]], rows_v)
        pltpu.sync_copy(rows_v, out_hbm.at[pl.ds(wid * LPW + j * KCH, KCH)])
        return carry

    lax.fori_loop(0, GCH, body, 0)



def _pad_table(tt):
    def kern(x_ref, o_ref):
        xt = jnp.transpose(x_ref[...], (1, 0))
        o_ref[...] = jnp.concatenate(
            [xt, jnp.zeros((xt.shape[0], TPAD - EMB), jnp.float32)], axis=1)

    return pl.pallas_call(
        kern,
        grid=(98,),
        in_specs=[pl.BlockSpec((EMB, 512), lambda i: (0, i))],
        out_specs=pl.BlockSpec((512, TPAD), lambda i: (i, 0)),
        out_shape=jax.ShapeDtypeStruct((tt.shape[1], TPAD), jnp.float32),
    )(tt)

def _mm_bias(x, wt, b):
    def kern(x_ref, wt_ref, b_ref, o_ref):
        o_ref[...] = jnp.dot(x_ref[...], wt_ref[...],
                             preferred_element_type=jnp.float32) + b_ref[...]

    return pl.pallas_call(
        kern,
        out_shape=jax.ShapeDtypeStruct((x.shape[0], wt.shape[1]), jnp.float32),
    )(x, wt, b)


def _mm_scale(x, wt, dinv):
    def kern(x_ref, wt_ref, d_ref, o_ref):
        o_ref[...] = jnp.dot(x_ref[...], wt_ref[...],
                             preferred_element_type=jnp.float32) * d_ref[...]

    return pl.pallas_call(
        kern,
        out_shape=jax.ShapeDtypeStruct((x.shape[0], wt.shape[1]), jnp.float32),
    )(x, wt, dinv)


def _dinv_col(deg_t):
    def kern(d_ref, o_ref):
        o_ref[...] = lax.rsqrt(1.0 + jnp.sum(d_ref[...], axis=1, keepdims=True))

    return pl.pallas_call(
        kern,
        out_shape=jax.ShapeDtypeStruct((deg_t.shape[0], 1), jnp.float32),
    )(deg_t)


def _epilogue(p, y, dinv, b, elu):
    def kern(p_ref, y_ref, d_ref, b_ref, o_ref):
        t = (p_ref[0] + p_ref[1] + y_ref[...]) * d_ref[...] + b_ref[...]
        if elu:
            t = jnp.where(t > 0, t, jnp.exp(jnp.minimum(t, 0.0)) - 1.0)
        o_ref[...] = t

    return pl.pallas_call(
        kern,
        out_shape=jax.ShapeDtypeStruct(y.shape, jnp.float32),
    )(p, y, dinv, b)



def _lstm_scan_kernel(xp, w, Bn, T):
    def kern(xp_ref, w_ref, hs_ref):
        w_v = w_ref[...]

        def step(t, carry):
            h, c = carry
            g = xp_ref[t] + jnp.dot(h, w_v, preferred_element_type=jnp.float32)
            i = jax.nn.sigmoid(g[:, 0:300])
            f = jax.nn.sigmoid(g[:, 300:600])
            gg = jnp.tanh(g[:, 600:900])
            o = jax.nn.sigmoid(g[:, 900:1200])
            c = f * c + i * gg
            h = o * jnp.tanh(c)
            hs_ref[t] = h
            return (h, c)

        z = jnp.zeros((Bn, 2 * HID), jnp.float32)
        lax.fori_loop(0, T, step, (z, z))

    return pl.pallas_call(
        kern,
        out_shape=jax.ShapeDtypeStruct((T, Bn, 2 * HID), jnp.float32),
    )(xp, w)


def _lstm_layer(p, layer, x, lens):
    Bn, T, _ = x.shape
    H = HID
    t = jnp.arange(T)
    idx = lens[:, None] - 1 - t[None, :]
    valid = (idx >= 0).astype(x.dtype)
    idxc = jnp.clip(idx, 0, T - 1)
    xb = jnp.take_along_axis(x, idxc[:, :, None], axis=1) * valid[:, :, None]

    wih_f = p['lstm_wih_%df' % layer].T
    wih_b = p['lstm_wih_%db' % layer].T
    whh_f = p['lstm_whh_%df' % layer].T
    whh_b = p['lstm_whh_%db' % layer].T
    bias_f = p['lstm_bih_%df' % layer] + p['lstm_bhh_%df' % layer]
    bias_b = p['lstm_bih_%db' % layer] + p['lstm_bhh_%db' % layer]

    xpf = (x @ wih_f + bias_f).reshape(Bn, T, 4, H)
    xpb = (xb @ wih_b + bias_b).reshape(Bn, T, 4, H)
    xp = jnp.concatenate([xpf, xpb], axis=-1).reshape(Bn, T, 8 * H)
    xp = jnp.swapaxes(xp, 0, 1)

    w = jnp.zeros((2 * H, 8 * H), jnp.float32)
    for k in range(4):
        w = w.at[:H, k * 2 * H:k * 2 * H + H].set(whh_f[:, k * H:(k + 1) * H])
        w = w.at[H:, k * 2 * H + H:(k + 1) * 2 * H].set(whh_b[:, k * H:(k + 1) * H])

    hs = _lstm_scan_kernel(xp, w, Bn, T)
    fwd = jnp.swapaxes(hs[:, :, :H], 0, 1)
    bwd = jnp.swapaxes(hs[:, :, H:], 0, 1)
    bwd = jnp.take_along_axis(bwd, idxc[:, :, None], axis=1) * valid[:, :, None]
    mask = (t[None, :] < lens[:, None]).astype(hs.dtype)[:, :, None]
    return jnp.concatenate([fwd * mask, bwd * mask], axis=-1)


def _bilstm(p, x, lens):
    h = x
    for layer in (0, 1):
        h = _lstm_layer(p, layer, h, lens)
    return h


def _encoder(p, pos_table, sent_pos_table, x, sent_x, embed, emb_flat):
    Bn, Sn, Ln = sent_x.shape
    BS = Bn * Sn
    tokens = sent_x.reshape(BS, Ln)
    sentlen = jnp.sum(tokens != 0, axis=-1)
    pos_idx = jnp.arange(1, Ln + 1)[None, :]
    posmask = (pos_idx <= sentlen[:, None]).astype(jnp.float32)
    pos_emb = posmask[:, :, None] * pos_table[1:Ln + 1][None, :, :]
    conv_in = emb_flat + pos_emb
    feats = []
    for h in range(2, 8):
        w = p['conv_w_%d' % h]
        bb = p['conv_b_%d' % h]
        P = Ln - h + 1
        acc = None
        for dh in range(h):
            term = jnp.einsum('bpe,oe->bpo', conv_in[:, dh:dh + P, :],
                              w[:, 0, dh, :])
            acc = term if acc is None else acc + term
        out = jax.nn.relu(acc + bb[None, None, :])
        feats.append(jnp.max(out, axis=1))
    ngram = jnp.concatenate(feats, axis=1)
    spos = jnp.tile(sent_pos_table[:Sn], (Bn, 1))
    cnn_feature = (ngram + spos) @ p['cnn_proj_w'].T + p['cnn_proj_b']
    cnn_feature = cnn_feature.reshape(Bn, Sn, HID)
    glen = jnp.sum(sent_x[:, :, 0] != 0, axis=-1)
    lstm_out = _bilstm(p, cnn_feature, glen)
    lstm_feature = lstm_out @ p['lstm_proj_w'].T + p['lstm_proj_b']
    sent_feat = jnp.concatenate([cnn_feature, lstm_feature], axis=-1)
    xcat = jnp.concatenate([embed, sent_feat], axis=1)
    return xcat.reshape(-1, EMB), embed



def kernel(x, sent_x, edge_index, params, pos_table, sent_pos_table):
    p = params

    dst_r = edge_index[1].reshape(NWORKERS, NCH, KCH)
    zero_deg = jnp.zeros((N_NODES,), jnp.float32)
    zero_rows = jnp.zeros((N_ACC, DPAD), jnp.float32)

    npadw = EPWP - EPW
    dummy_src = (jnp.arange(NWORKERS * npadw, dtype=jnp.int32)
                 % N_NODES).reshape(NWORKERS, npadw)
    dummy_dst = (N_NODES + jnp.arange(NWORKERS * npadw, dtype=jnp.int32)
                 % (N_ACC - N_NODES)).reshape(NWORKERS, npadw)
    src_p = jnp.concatenate(
        [edge_index[0].reshape(NWORKERS, EPW), dummy_src],
        axis=1).reshape(NWORKERS, ENCH, ECH)
    dst_p = jnp.concatenate(
        [edge_index[1].reshape(NWORKERS, EPW), dummy_dst],
        axis=1).reshape(NWORKERS, ENCH, ECH)

    deg_part = _sc_degree(dst_r, zero_deg)
    dinv = _dinv_col(deg_part.T)

    tpad = _pad_table(p['embed'].T)
    all_idx = jnp.concatenate([
        x.reshape(-1), sent_x.reshape(-1),
        jnp.arange(N_LOOKUP_PAD - N_LOOKUP, dtype=jnp.int32)])
    g = _sc_embed_gather(tpad, all_idx.reshape(NWORKERS, GCH, KCH))
    embed = g[:9600, :EMB].reshape(x.shape[0], x.shape[1], EMB)
    emb_flat = g[9600:N_LOOKUP, :EMB].reshape(-1, sent_x.shape[2], EMB)

    xcat, embed = _encoder(p, pos_table, sent_pos_table, x, sent_x,
                           embed, emb_flat)

    h0 = _mm_bias(xcat, p['gc0_w'].T, p['gc0_b'][None, :])

    w1t = jnp.zeros((HID, DPAD), jnp.float32).at[:, :HID].set(p['gc1_w'].T)
    w2t = jnp.zeros((DPAD, DPAD), jnp.float32).at[:HID, :HID].set(p['gc2_w'].T)
    b1 = jnp.zeros((1, DPAD), jnp.float32).at[0, :HID].set(p['gc1_b'])
    b2 = jnp.zeros((1, DPAD), jnp.float32).at[0, :HID].set(p['gc2_b'])

    y1 = _mm_scale(h0, w1t, dinv)
    p1 = _sc_edge_prop(src_p, dst_p, y1, zero_rows)
    h1 = _epilogue(p1, y1, dinv, b1, elu=True)

    y2 = _mm_scale(h1, w2t, dinv)
    p2 = _sc_edge_prop(src_p, dst_p, y2, zero_rows)
    out = _epilogue(p2, y2, dinv, b2, elu=False)

    return out[:, :HID], embed

# --- scband reference (transcript-rebuilt; emitter-appended) ---
"""Pipeline reference for scband-gcn-18193481466251 (READ-ONLY COPY).

The authoritative reference and input builder live on the scoring server;
editing this copy changes nothing except your own understanding.
"""

import jax
import jax.numpy as jnp
import numpy as np
from jax import lax

VOCAB = 50000
EMB = 300
HID = 150
MAXPOS = 150
B = 4
NW = 2400
S = 100
L = 50
N = B * (NW + S)
E = 320000


def _sinusoid(n_pos, d):
    pos = np.arange(n_pos, dtype=np.float64)[:, None]
    i = np.arange(d, dtype=np.float64)[None, :]
    ang = pos / np.power(10000.0, 2.0 * np.floor(i / 2.0) / d)
    tab = ang.copy()
    tab[:, 0::2] = np.sin(ang[:, 0::2])
    tab[:, 1::2] = np.cos(ang[:, 1::2])
    tab[0] = 0.0
    return jnp.asarray(tab, dtype=jnp.float32)


def _init_params():
    key = jax.random.key(1)
    c = [0]

    def nk():
        c[0] += 1
        return jax.random.fold_in(key, c[0])

    p = {}
    emb = jax.random.normal(nk(), (VOCAB, EMB), jnp.float32) * 0.02
    p['embed'] = emb.at[0].set(0.0)
    for h in range(2, 8):
        p['conv_w_%d' % h] = jax.random.normal(nk(), (50, 1, h, EMB), jnp.float32) * (np.sqrt(6.0) / np.sqrt(float(h * EMB)))
        p['conv_b_%d' % h] = jnp.zeros((50,), jnp.float32)
    p['cnn_proj_w'] = jax.random.normal(nk(), (HID, EMB), jnp.float32) * 0.02
    p['cnn_proj_b'] = jnp.zeros((HID,), jnp.float32)
    for layer in (0, 1):
        ind = HID if layer == 0 else 2 * HID
        for d in ('f', 'b'):
            p['lstm_wih_%d%s' % (layer, d)] = jax.random.normal(nk(), (4 * HID, ind), jnp.float32) * 0.05
            p['lstm_whh_%d%s' % (layer, d)] = jax.random.normal(nk(), (4 * HID, HID), jnp.float32) * 0.05
            p['lstm_bih_%d%s' % (layer, d)] = jnp.zeros((4 * HID,), jnp.float32)
            p['lstm_bhh_%d%s' % (layer, d)] = jnp.zeros((4 * HID,), jnp.float32)
    p['lstm_proj_w'] = jax.random.normal(nk(), (HID, 2 * HID), jnp.float32) * 0.02
    p['lstm_proj_b'] = jnp.zeros((HID,), jnp.float32)
    p['gc0_w'] = jax.random.normal(nk(), (HID, EMB), jnp.float32) * 0.02
    p['gc0_b'] = jnp.zeros((HID,), jnp.float32)
    p['gc1_w'] = jax.random.normal(nk(), (HID, HID), jnp.float32) * 0.05
    p['gc1_b'] = jnp.zeros((HID,), jnp.float32)
    p['gc2_w'] = jax.random.normal(nk(), (HID, HID), jnp.float32) * 0.05
    p['gc2_b'] = jnp.zeros((HID,), jnp.float32)
    return p


def _lstm_dir(x, lens, Wih, Whh, bih, bhh, reverse):
    Bn, T, _ = x.shape
    H = Whh.shape[1]
    t = jnp.arange(T)
    idxc = None
    valid = None
    if reverse:
        idx = lens[:, None] - 1 - t[None, :]
        valid = (idx >= 0).astype(x.dtype)
        idxc = jnp.clip(idx, 0, T - 1)
        x = jnp.take_along_axis(x, idxc[:, :, None], axis=1) * valid[:, :, None]

    def step(carry, xt):
        hh, cc = carry
        g = xt @ Wih.T + hh @ Whh.T + bih + bhh
        i, f, gg, o = jnp.split(g, 4, axis=-1)
        i = jax.nn.sigmoid(i)
        f = jax.nn.sigmoid(f)
        gg = jnp.tanh(gg)
        o = jax.nn.sigmoid(o)
        cc = f * cc + i * gg
        hh = o * jnp.tanh(cc)
        return (hh, cc), hh

    init = (jnp.zeros((Bn, H), x.dtype), jnp.zeros((Bn, H), x.dtype))
    _, hs = lax.scan(step, init, jnp.swapaxes(x, 0, 1))
    hs = jnp.swapaxes(hs, 0, 1)
    if reverse:
        hs = jnp.take_along_axis(hs, idxc[:, :, None], axis=1) * valid[:, :, None]
    mask = (t[None, :] < lens[:, None]).astype(hs.dtype)[:, :, None]
    return hs * mask


def _bilstm(p, x, lens):
    h = x
    for layer in (0, 1):
        fwd = _lstm_dir(h, lens, p['lstm_wih_%df' % layer], p['lstm_whh_%df' % layer], p['lstm_bih_%df' % layer], p['lstm_bhh_%df' % layer], False)
        bwd = _lstm_dir(h, lens, p['lstm_wih_%db' % layer], p['lstm_whh_%db' % layer], p['lstm_bih_%db' % layer], p['lstm_bhh_%db' % layer], True)
        h = jnp.concatenate([fwd, bwd], axis=-1)
    return h


def _gcn_conv(x, edge_index, W, b):
    n = x.shape[0]
    loop = jnp.arange(n, dtype=edge_index.dtype)
    src = jnp.concatenate([edge_index[0], loop])
    dst = jnp.concatenate([edge_index[1], loop])
    w = jnp.ones(src.shape[0], jnp.float32)
    deg = jax.ops.segment_sum(w, dst, num_segments=n)
    dinv = jnp.where(deg > 0, lax.rsqrt(deg), 0.0)
    norm = dinv[src] * dinv[dst]
    h = x @ W.T
    out = jax.ops.segment_sum(h[src] * norm[:, None], dst, num_segments=n)
    return out + b


def _forward(p, pos_table, sent_pos_table, x_idx, sent_x, edge_index):
    Bn, Sn, Ln = sent_x.shape
    emb_table = p['embed']
    embed = emb_table[x_idx]
    sent_emb = emb_table[sent_x]
    BS = Bn * Sn
    tokens = sent_x.reshape(BS, Ln)
    emb_flat = sent_emb.reshape(BS, Ln, EMB)
    sentlen = jnp.sum(tokens != 0, axis=-1)
    pos_idx = jnp.arange(1, Ln + 1)[None, :]
    input_pos = jnp.where(pos_idx <= sentlen[:, None], pos_idx, 0)
    pos_emb = pos_table[input_pos]
    conv_in = (emb_flat + pos_emb)[:, None, :, :]
    feats = []
    for h in range(2, 8):
        w = p['conv_w_%d' % h]
        bb = p['conv_b_%d' % h]
        out = lax.conv_general_dilated(conv_in, w, (1, 1), 'VALID', dimension_numbers=('NCHW', 'OIHW', 'NCHW'))
        out = jax.nn.relu(out + bb[None, :, None, None])
        feats.append(jnp.max(out[:, :, :, 0], axis=2))
    ngram = jnp.concatenate(feats, axis=1)
    snode_pos = jnp.tile(jnp.arange(Sn), Bn)
    spos = sent_pos_table[snode_pos]
    cnn_feature = (ngram + spos) @ p['cnn_proj_w'].T + p['cnn_proj_b']
    cnn_feature = cnn_feature.reshape(Bn, Sn, HID)
    glen = jnp.sum(sent_x[:, :, 0] != 0, axis=-1)
    lstm_out = _bilstm(p, cnn_feature, glen)
    lstm_feature = lstm_out @ p['lstm_proj_w'].T + p['lstm_proj_b']
    sent_feat = jnp.concatenate([cnn_feature, lstm_feature], axis=-1)
    xcat = jnp.concatenate([embed, sent_feat], axis=1)
    h0 = (xcat @ p['gc0_w'].T + p['gc0_b']).reshape(-1, HID)
    h1 = jax.nn.elu(_gcn_conv(h0, edge_index, p['gc1_w'], p['gc1_b']))
    out = _gcn_conv(h1, edge_index, p['gc2_w'], p['gc2_b'])
    return out, embed


def setup_inputs(seed: int = 0):
    key = jax.random.key(seed)
    x = jax.random.randint(jax.random.fold_in(key, 1), (B, NW), 0, VOCAB, dtype=jnp.int32)
    sent_x = jax.random.randint(jax.random.fold_in(key, 2), (B, S, L), 0, VOCAB, dtype=jnp.int32)
    edge_index = jax.random.randint(jax.random.fold_in(key, 3), (2, E), 0, N, dtype=jnp.int32)
    params = _init_params()
    pos_table = _sinusoid(MAXPOS + 1, EMB)
    sent_pos_table = _sinusoid(MAXPOS + 1, EMB)
    return {'x': x, 'sent_x': sent_x, 'edge_index': edge_index, 'params': params, 'pos_table': pos_table, 'sent_pos_table': sent_pos_table}


def reference(x, sent_x, edge_index, params, pos_table, sent_pos_table):
    return _forward(params, pos_table, sent_pos_table, x, sent_x, edge_index)

if __name__ == "__main__":
    import jax
    _d = setup_inputs()
    print(jax.jit(kernel)(*tuple(_d.values())))

</pallas_src>

<mosaic_0001>
#map = affine_map<(d0, d1) -> (0, 0, 0)>
#map1 = affine_map<(d0, d1) -> (0, 0)>
module attributes {stable_mosaic.version = 14 : i64} {
  func.func @_sc_edge_prop(%arg0: i32, %arg1: i32, %arg2: memref<32x105x96xi32, #tpu.memory_space<hbm>>, %arg3: memref<32x105x96xi32, #tpu.memory_space<hbm>>, %arg4: memref<10000x152xf32, #tpu.memory_space<hbm>>, %arg5: memref<10008x152xf32, #tpu.memory_space<hbm>>, %arg6: memref<2x10000x152xf32, #tpu.memory_space<hbm>>, %arg7: memref<105x96xi32, #tpu.memory_space<vmem>>, %arg8: memref<105x96xi32, #tpu.memory_space<vmem>>, %arg9: memref<96x152xf32, #tpu.memory_space<vmem>>, %arg10: memref<10008x152xf32, #tpu.memory_space<vmem_shared>>) attributes {dimension_semantics = [#tpu.dimension_semantics<core_parallel>, #tpu.dimension_semantics<subcore_parallel>], iteration_bounds = array<i64: 2, 16>, scalar_prefetch = 0 : i64, scratch_operands = 4 : i64, tpu.core_type = #tpu.core_type<sc_vector_subcore>, window_params = [{transform_indices = #map}, {transform_indices = #map}, {transform_indices = #map1}, {transform_indices = #map1}, {transform_indices = #map}]} {
    %mul3A = arith.constant 16 : i32
    %mul3A_0 = arith.muli %arg0, %mul3A : i32
    %add3A = arith.addi %mul3A_0, %arg1 : i32
    %eq3A = arith.constant 0 : i32
    %eq3A_1 = arith.cmpi eq, %arg1, %eq3A : i32
    %convert_element_type3A = arith.extui %eq3A_1 : i1 to i32
    %cond3A = arith.constant 0 : i32
    %cond3A_2 = arith.cmpi ne, %convert_element_type3A, %cond3A : i32
    scf.if %cond3A_2 {
      "tpu.region"() ({
        %run_scoped3A = tpu.sem_alloc : memref<!tpu.dma_semaphore, #tpu.memory_space<semaphore_mem>>
        tpu.enqueue_dma source(%arg5 : memref<10008x152xf32, #tpu.memory_space<hbm>>) target(%arg10 : memref<10008x152xf32, #tpu.memory_space<vmem_shared>>) target_semaphore(%run_scoped3A : memref<!tpu.dma_semaphore, #tpu.memory_space<semaphore_mem>>)
        tpu.wait_dma2 semaphore(%run_scoped3A : memref<!tpu.dma_semaphore, #tpu.memory_space<semaphore_mem>>) src(%arg5 : memref<10008x152xf32, #tpu.memory_space<hbm>>) dst(%arg10 : memref<10008x152xf32, #tpu.memory_space<vmem_shared>>)
        tpu.yield
      }) : () -> ()
    } else {
    }
    "tpu.region"() ({
      %run_scoped3A = tpu.sem_alloc : memref<!tpu.dma_semaphore, #tpu.memory_space<semaphore_mem>>
      %dma_start3A = arith.constant 0 : i32
      %dma_start3A_18 = arith.constant 0 : i32
      %dma_start3A_19 = tpu.memref_slice %arg2[%add3A, %dma_start3A, %dma_start3A_18] : memref<32x105x96xi32, #tpu.memory_space<hbm>> -> memref<1x105x96xi32, #tpu.memory_space<hbm>>
      %dma_start3A_20 = tpu.memref_squeeze %dma_start3A_19 : memref<1x105x96xi32, #tpu.memory_space<hbm>> -> memref<105x96xi32, #tpu.memory_space<hbm>>
      %dma_start3A_21 = arith.constant 0 : i32
      %dma_start3A_22 = arith.constant 0 : i32
      %dma_start3A_23 = tpu.memref_slice %arg2[%add3A, %dma_start3A_21, %dma_start3A_22] : memref<32x105x96xi32, #tpu.memory_space<hbm>> -> memref<1x105x96xi32, #tpu.memory_space<hbm>>
      %dma_start3A_24 = tpu.memref_squeeze %dma_start3A_23 : memref<1x105x96xi32, #tpu.memory_space<hbm>> -> memref<105x96xi32, #tpu.memory_space<hbm>>
      tpu.enqueue_dma source(%dma_start3A_24 : memref<105x96xi32, #tpu.memory_space<hbm>>) target(%arg7 : memref<105x96xi32, #tpu.memory_space<vmem>>) target_semaphore(%run_scoped3A : memref<!tpu.dma_semaphore, #tpu.memory_space<semaphore_mem>>)
      %dma_wait3A = arith.constant 0 : i32
      %dma_wait3A_25 = arith.constant 0 : i32
      %dma_wait3A_26 = tpu.memref_slice %arg2[%add3A, %dma_wait3A, %dma_wait3A_25] : memref<32x105x96xi32, #tpu.memory_space<hbm>> -> memref<1x105x96xi32, #tpu.memory_space<hbm>>
      %dma_wait3A_27 = tpu.memref_squeeze %dma_wait3A_26 : memref<1x105x96xi32, #tpu.memory_space<hbm>> -> memref<105x96xi32, #tpu.memory_space<hbm>>
      %dma_wait3A_28 = arith.constant 0 : i32
      %dma_wait3A_29 = arith.constant 0 : i32
      %dma_wait3A_30 = tpu.memref_slice %arg2[%add3A, %dma_wait3A_28, %dma_wait3A_29] : memref<32x105x96xi32, #tpu.memory_space<hbm>> -> memref<1x105x96xi32, #tpu.memory_space<hbm>>
      %dma_wait3A_31 = tpu.memref_squeeze %dma_wait3A_30 : memref<1x105x96xi32, #tpu.memory_space<hbm>> -> memref<105x96xi32, #tpu.memory_space<hbm>>
      tpu.wait_dma2 semaphore(%run_scoped3A : memref<!tpu.dma_semaphore, #tpu.memory_space<semaphore_mem>>) src(%dma_wait3A_31 : memref<105x96xi32, #tpu.memory_space<hbm>>) dst(%arg7 : memref<105x96xi32, #tpu.memory_space<vmem>>)
      tpu.yield
    }) : () -> ()
    "tpu.region"() ({
      %run_scoped3A = tpu.sem_alloc : memref<!tpu.dma_semaphore, #tpu.memory_space<semaphore_mem>>
      %dma_start3A = arith.constant 0 : i32
      %dma_start3A_18 = arith.constant 0 : i32
      %dma_start3A_19 = tpu.memref_slice %arg3[%add3A, %dma_start3A, %dma_start3A_18] : memref<32x105x96xi32, #tpu.memory_space<hbm>> -> memref<1x105x96xi32, #tpu.memory_space<hbm>>
      %dma_start3A_20 = tpu.memref_squeeze %dma_start3A_19 : memref<1x105x96xi32, #tpu.memory_space<hbm>> -> memref<105x96xi32, #tpu.memory_space<hbm>>
      %dma_start3A_21 = arith.constant 0 : i32
      %dma_start3A_22 = arith.constant 0 : i32
      %dma_start3A_23 = tpu.memref_slice %arg3[%add3A, %dma_start3A_21, %dma_start3A_22] : memref<32x105x96xi32, #tpu.memory_space<hbm>> -> memref<1x105x96xi32, #tpu.memory_space<hbm>>
      %dma_start3A_24 = tpu.memref_squeeze %dma_start3A_23 : memref<1x105x96xi32, #tpu.memory_space<hbm>> -> memref<105x96xi32, #tpu.memory_space<hbm>>
      tpu.enqueue_dma source(%dma_start3A_24 : memref<105x96xi32, #tpu.memory_space<hbm>>) target(%arg8 : memref<105x96xi32, #tpu.memory_space<vmem>>) target_semaphore(%run_scoped3A : memref<!tpu.dma_semaphore, #tpu.memory_space<semaphore_mem>>)
      %dma_wait3A = arith.constant 0 : i32
      %dma_wait3A_25 = arith.constant 0 : i32
      %dma_wait3A_26 = tpu.memref_slice %arg3[%add3A, %dma_wait3A, %dma_wait3A_25] : memref<32x105x96xi32, #tpu.memory_space<hbm>> -> memref<1x105x96xi32, #tpu.memory_space<hbm>>
      %dma_wait3A_27 = tpu.memref_squeeze %dma_wait3A_26 : memref<1x105x96xi32, #tpu.memory_space<hbm>> -> memref<105x96xi32, #tpu.memory_space<hbm>>
      %dma_wait3A_28 = arith.constant 0 : i32
      %dma_wait3A_29 = arith.constant 0 : i32
      %dma_wait3A_30 = tpu.memref_slice %arg3[%add3A, %dma_wait3A_28, %dma_wait3A_29] : memref<32x105x96xi32, #tpu.memory_space<hbm>> -> memref<1x105x96xi32, #tpu.memory_space<hbm>>
      %dma_wait3A_31 = tpu.memref_squeeze %dma_wait3A_30 : memref<1x105x96xi32, #tpu.memory_space<hbm>> -> memref<105x96xi32, #tpu.memory_space<hbm>>
      tpu.wait_dma2 semaphore(%run_scoped3A : memref<!tpu.dma_semaphore, #tpu.memory_space<semaphore_mem>>) src(%dma_wait3A_31 : memref<105x96xi32, #tpu.memory_space<hbm>>) dst(%arg8 : memref<105x96xi32, #tpu.memory_space<vmem>>)
      tpu.yield
    }) : () -> ()
    %barrier3A = arith.constant 0 : index
    tpu.barrier barrier_id(%barrier3A)
    %scan3A = arith.constant 0 : i32
    %scan3A_3 = arith.constant 0 : i32
    %scan3A_4 = arith.constant 105 : i32
    %scan3A_5 = arith.addi %scan3A_3, %scan3A_4 : i32
    %scan3A_6 = arith.constant 1 : i32
    scf.for %scan3A_18 = %scan3A_3 to %scan3A_5 step %scan3A_6  : i32 {
      "tpu.region"() ({
        %run_scoped3A = tpu.sem_alloc : memref<!tpu.dma_semaphore, #tpu.memory_space<semaphore_mem>>
        %dma_start3A = arith.constant 0 : i32
        %dma_start3A_19 = tpu.memref_slice %arg7[%scan3A_18, %dma_start3A] : memref<105x96xi32, #tpu.memory_space<vmem>> -> memref<1x96xi32, #tpu.memory_space<vmem>>
        %dma_start3A_20 = tpu.memref_squeeze %dma_start3A_19 : memref<1x96xi32, #tpu.memory_space<vmem>> -> memref<96xi32, #tpu.memory_space<vmem>>
        %dma_start3A_21 = arith.constant 0 : i32
        %dma_start3A_22 = arith.constant 0 : i32
        %dma_start3A_23 = tpu.memref_slice %arg4[%dma_start3A_21, %dma_start3A_22] : memref<10000x152xf32, #tpu.memory_space<hbm>> -> memref<10000x152xf32, #tpu.memory_space<hbm>>
        tpu.enqueue_indirect_dma source(%dma_start3A_23 : memref<10000x152xf32, #tpu.memory_space<hbm>>) target(%arg9 : memref<96x152xf32, #tpu.memory_space<vmem>>) offsets(%dma_start3A_20 : memref<96xi32, #tpu.memory_space<vmem>>) semaphore(%run_scoped3A : memref<!tpu.dma_semaphore, #tpu.memory_space<semaphore_mem>>)
        %dma_wait3A = arith.constant 0 : i32
        %dma_wait3A_24 = tpu.memref_slice %arg7[%scan3A_18, %dma_wait3A] : memref<105x96xi32, #tpu.memory_space<vmem>> -> memref<1x96xi32, #tpu.memory_space<vmem>>
        %dma_wait3A_25 = tpu.memref_squeeze %dma_wait3A_24 : memref<1x96xi32, #tpu.memory_space<vmem>> -> memref<96xi32, #tpu.memory_space<vmem>>
        %dma_wait3A_26 = arith.constant 0 : i32
        %dma_wait3A_27 = arith.constant 0 : i32
        %dma_wait3A_28 = tpu.memref_slice %arg4[%dma_wait3A_26, %dma_wait3A_27] : memref<10000x152xf32, #tpu.memory_space<hbm>> -> memref<10000x152xf32, #tpu.memory_space<hbm>>
        tpu.wait_indirect_dma semaphore(%run_scoped3A : memref<!tpu.dma_semaphore, #tpu.memory_space<semaphore_mem>>) src(%dma_wait3A_28 : memref<10000x152xf32, #tpu.memory_space<hbm>>) dst(%arg9 : memref<96x152xf32, #tpu.memory_space<vmem>>)
        tpu.yield
      }) : () -> ()
      "tpu.region"() ({
        %run_scoped3A = tpu.sem_alloc : memref<!tpu.dma_semaphore, #tpu.memory_space<semaphore_mem>>
        %dma_start3A = arith.constant 0 : i32
        %dma_start3A_19 = tpu.memref_slice %arg8[%scan3A_18, %dma_start3A] : memref<105x96xi32, #tpu.memory_space<vmem>> -> memref<1x96xi32, #tpu.memory_space<vmem>>
        %dma_start3A_20 = tpu.memref_squeeze %dma_start3A_19 : memref<1x96xi32, #tpu.memory_space<vmem>> -> memref<96xi32, #tpu.memory_space<vmem>>
        %dma_start3A_21 = arith.constant 0 : i32
        %dma_start3A_22 = arith.constant 0 : i32
        %dma_start3A_23 = tpu.memref_slice %arg10[%dma_start3A_21, %dma_start3A_22] : memref<10008x152xf32, #tpu.memory_space<vmem_shared>> -> memref<10008x152xf32, #tpu.memory_space<vmem_shared>>
        tpu.enqueue_indirect_dma source(%arg9 : memref<96x152xf32, #tpu.memory_space<vmem>>) target(%dma_start3A_23 : memref<10008x152xf32, #tpu.memory_space<vmem_shared>>) offsets(%dma_start3A_20 : memref<96xi32, #tpu.memory_space<vmem>>) semaphore(%run_scoped3A : memref<!tpu.dma_semaphore, #tpu.memory_space<semaphore_mem>>) {add = true}
        %dma_wait3A = arith.constant 0 : i32
        %dma_wait3A_24 = tpu.memref_slice %arg8[%scan3A_18, %dma_wait3A] : memref<105x96xi32, #tpu.memory_space<vmem>> -> memref<1x96xi32, #tpu.memory_space<vmem>>
        %dma_wait3A_25 = tpu.memref_squeeze %dma_wait3A_24 : memref<1x96xi32, #tpu.memory_space<vmem>> -> memref<96xi32, #tpu.memory_space<vmem>>
        %dma_wait3A_26 = arith.constant 0 : i32
        %dma_wait3A_27 = arith.constant 0 : i32
        %dma_wait3A_28 = tpu.memref_slice %arg10[%dma_wait3A_26, %dma_wait3A_27] : memref<10008x152xf32, #tpu.memory_space<vmem_shared>> -> memref<10008x152xf32, #tpu.memory_space<vmem_shared>>
        tpu.wait_indirect_dma semaphore(%run_scoped3A : memref<!tpu.dma_semaphore, #tpu.memory_space<semaphore_mem>>) src(%arg9 : memref<96x152xf32, #tpu.memory_space<vmem>>) dst(%dma_wait3A_28 : memref<10008x152xf32, #tpu.memory_space<vmem_shared>>)
        tpu.yield
      }) : () -> ()
    }
    %scan3A_7 = arith.constant 105 : i32
    %barrier3A_8 = arith.constant 0 : index
    tpu.barrier barrier_id(%barrier3A_8)
    %mul3A_9 = arith.constant 624 : i32
    %mul3A_10 = arith.muli %arg1, %mul3A_9 : i32
    %mul3A_11 = arith.constant 624 : i32
    %mul3A_12 = arith.muli %arg1, %mul3A_11 : i32
    "tpu.region"() ({
      %run_scoped3A = tpu.sem_alloc : memref<!tpu.dma_semaphore, #tpu.memory_space<semaphore_mem>>
      %dma_start3A = arith.constant 0 : i32
      %dma_start3A_18 = tpu.memref_slice %arg6[%arg0, %mul3A_12, %dma_start3A] : memref<2x10000x152xf32, #tpu.memory_space<hbm>> -> memref<1x624x152xf32, #tpu.memory_space<hbm>>
      %dma_start3A_19 = tpu.memref_squeeze %dma_start3A_18 : memref<1x624x152xf32, #tpu.memory_space<hbm>> -> memref<624x152xf32, #tpu.memory_space<hbm>>
      %dma_start3A_20 = arith.constant 0 : i32
      %dma_start3A_21 = tpu.memref_slice %arg10[%mul3A_10, %dma_start3A_20] : memref<10008x152xf32, #tpu.memory_space<vmem_shared>> -> memref<624x152xf32, #tpu.memory_space<vmem_shared>>
      tpu.enqueue_dma source(%dma_start3A_21 : memref<624x152xf32, #tpu.memory_space<vmem_shared>>) target(%dma_start3A_19 : memref<624x152xf32, #tpu.memory_space<hbm>>) target_semaphore(%run_scoped3A : memref<!tpu.dma_semaphore, #tpu.memory_space<semaphore_mem>>)
      %dma_wait3A = arith.constant 0 : i32
      %dma_wait3A_22 = tpu.memref_slice %arg6[%arg0, %mul3A_12, %dma_wait3A] : memref<2x10000x152xf32, #tpu.memory_space<hbm>> -> memref<1x624x152xf32, #tpu.memory_space<hbm>>
      %dma_wait3A_23 = tpu.memref_squeeze %dma_wait3A_22 : memref<1x624x152xf32, #tpu.memory_space<hbm>> -> memref<624x152xf32, #tpu.memory_space<hbm>>
      %dma_wait3A_24 = arith.constant 0 : i32
      %dma_wait3A_25 = tpu.memref_slice %arg10[%mul3A_10, %dma_wait3A_24] : memref<10008x152xf32, #tpu.memory_space<vmem_shared>> -> memref<624x152xf32, #tpu.memory_space<vmem_shared>>
      tpu.wait_dma2 semaphore(%run_scoped3A : memref<!tpu.dma_semaphore, #tpu.memory_space<semaphore_mem>>) src(%dma_wait3A_25 : memref<624x152xf32, #tpu.memory_space<vmem_shared>>) dst(%dma_wait3A_23 : memref<624x152xf32, #tpu.memory_space<hbm>>)
      tpu.yield
    }) : () -> ()
    %eq3A_13 = arith.constant 15 : i32
    %eq3A_14 = arith.cmpi eq, %arg1, %eq3A_13 : i32
    %convert_element_type3A_15 = arith.extui %eq3A_14 : i1 to i32
    %cond3A_16 = arith.constant 0 : i32
    %cond3A_17 = arith.cmpi ne, %convert_element_type3A_15, %cond3A_16 : i32
    scf.if %cond3A_17 {
      "tpu.region"() ({
        %run_scoped3A = tpu.sem_alloc : memref<!tpu.dma_semaphore, #tpu.memory_space<semaphore_mem>>
        %dma_start3A = arith.constant 9984 : i32
        %dma_start3A_18 = arith.constant 0 : i32
        %dma_start3A_19 = tpu.memref_slice %arg6[%arg0, %dma_start3A, %dma_start3A_18] : memref<2x10000x152xf32, #tpu.memory_space<hbm>> -> memref<1x16x152xf32, #tpu.memory_space<hbm>>
        %dma_start3A_20 = tpu.memref_squeeze %dma_start3A_19 : memref<1x16x152xf32, #tpu.memory_space<hbm>> -> memref<16x152xf32, #tpu.memory_space<hbm>>
        %dma_start3A_21 = arith.constant 9984 : i32
        %dma_start3A_22 = arith.constant 0 : i32
        %dma_start3A_23 = tpu.memref_slice %arg10[%dma_start3A_21, %dma_start3A_22] : memref<10008x152xf32, #tpu.memory_space<vmem_shared>> -> memref<16x152xf32, #tpu.memory_space<vmem_shared>>
        tpu.enqueue_dma source(%dma_start3A_23 : memref<16x152xf32, #tpu.memory_space<vmem_shared>>) target(%dma_start3A_20 : memref<16x152xf32, #tpu.memory_space<hbm>>) target_semaphore(%run_scoped3A : memref<!tpu.dma_semaphore, #tpu.memory_space<semaphore_mem>>)
        %dma_wait3A = arith.constant 9984 : i32
        %dma_wait3A_24 = arith.constant 0 : i32
        %dma_wait3A_25 = tpu.memref_slice %arg6[%arg0, %dma_wait3A, %dma_wait3A_24] : memref<2x10000x152xf32, #tpu.memory_space<hbm>> -> memref<1x16x152xf32, #tpu.memory_space<hbm>>
        %dma_wait3A_26 = tpu.memref_squeeze %dma_wait3A_25 : memref<1x16x152xf32, #tpu.memory_space<hbm>> -> memref<16x152xf32, #tpu.memory_space<hbm>>
        %dma_wait3A_27 = arith.constant 9984 : i32
        %dma_wait3A_28 = arith.constant 0 : i32
        %dma_wait3A_29 = tpu.memref_slice %arg10[%dma_wait3A_27, %dma_wait3A_28] : memref<10008x152xf32, #tpu.memory_space<vmem_shared>> -> memref<16x152xf32, #tpu.memory_space<vmem_shared>>
        tpu.wait_dma2 semaphore(%run_scoped3A : memref<!tpu.dma_semaphore, #tpu.memory_space<semaphore_mem>>) src(%dma_wait3A_29 : memref<16x152xf32, #tpu.memory_space<vmem_shared>>) dst(%dma_wait3A_26 : memref<16x152xf32, #tpu.memory_space<hbm>>)
        tpu.yield
      }) : () -> ()
    } else {
    }
    return
  }
}

#map = affine_map<(d0, d1) -> (0, 0, 0)>
#map1 = affine_map<(d0, d1) -> (0, 0)>
module attributes {stable_mosaic.version = 14 : i64} {
  func.func @_sc_edge_prop(%arg0: i32, %arg1: i32, %arg2: memref<32x105x96xi32, #tpu.memory_space<hbm>>, %arg3: memref<32x105x96xi32, #tpu.memory_space<hbm>>, %arg4: memref<10000x152xf32, #tpu.memory_space<hbm>>, %arg5: memref<10008x152xf32, #tpu.memory_space<hbm>>, %arg6: memref<2x10000x152xf32, #tpu.memory_space<hbm>>, %arg7: memref<105x96xi32, #tpu.memory_space<vmem>>, %arg8: memref<105x96xi32, #tpu.memory_space<vmem>>, %arg9: memref<96x152xf32, #tpu.memory_space<vmem>>, %arg10: memref<10008x152xf32, #tpu.memory_space<vmem_shared>>) attributes {dimension_semantics = [#tpu.dimension_semantics<core_parallel>, #tpu.dimension_semantics<subcore_parallel>], iteration_bounds = array<i64: 2, 16>, scalar_prefetch = 0 : i64, scratch_operands = 4 : i64, tpu.core_type = #tpu.core_type<sc_vector_subcore>, window_params = [{transform_indices = #map}, {transform_indices = #map}, {transform_indices = #map1}, {transform_indices = #map1}, {transform_indices = #map}]} {
    %mul3A = arith.constant 16 : i32
    %mul3A_0 = arith.muli %arg0, %mul3A : i32
    %add3A = arith.addi %mul3A_0, %arg1 : i32
    %eq3A = arith.constant 0 : i32
    %eq3A_1 = arith.cmpi eq, %arg1, %eq3A : i32
    %convert_element_type3A = arith.extui %eq3A_1 : i1 to i32
    %cond3A = arith.constant 0 : i32
    %cond3A_2 = arith.cmpi ne, %convert_element_type3A, %cond3A : i32
    scf.if %cond3A_2 {
      "tpu.region"() ({
        %run_scoped3A = tpu.sem_alloc : memref<!tpu.dma_semaphore, #tpu.memory_space<semaphore_mem>>
        tpu.enqueue_dma source(%arg5 : memref<10008x152xf32, #tpu.memory_space<hbm>>) target(%arg10 : memref<10008x152xf32, #tpu.memory_space<vmem_shared>>) target_semaphore(%run_scoped3A : memref<!tpu.dma_semaphore, #tpu.memory_space<semaphore_mem>>)
        tpu.wait_dma2 semaphore(%run_scoped3A : memref<!tpu.dma_semaphore, #tpu.memory_space<semaphore_mem>>) src(%arg5 : memref<10008x152xf32, #tpu.memory_space<hbm>>) dst(%arg10 : memref<10008x152xf32, #tpu.memory_space<vmem_shared>>)
        tpu.yield
      }) : () -> ()
    } else {
    }
    "tpu.region"() ({
      %run_scoped3A = tpu.sem_alloc : memref<!tpu.dma_semaphore, #tpu.memory_space<semaphore_mem>>
      %dma_start3A = arith.constant 0 : i32
      %dma_start3A_18 = arith.constant 0 : i32
      %dma_start3A_19 = tpu.memref_slice %arg2[%add3A, %dma_start3A, %dma_start3A_18] : memref<32x105x96xi32, #tpu.memory_space<hbm>> -> memref<1x105x96xi32, #tpu.memory_space<hbm>>
      %dma_start3A_20 = tpu.memref_squeeze %dma_start3A_19 : memref<1x105x96xi32, #tpu.memory_space<hbm>> -> memref<105x96xi32, #tpu.memory_space<hbm>>
      %dma_start3A_21 = arith.constant 0 : i32
      %dma_start3A_22 = arith.constant 0 : i32
      %dma_start3A_23 = tpu.memref_slice %arg2[%add3A, %dma_start3A_21, %dma_start3A_22] : memref<32x105x96xi32, #tpu.memory_space<hbm>> -> memref<1x105x96xi32, #tpu.memory_space<hbm>>
      %dma_start3A_24 = tpu.memref_squeeze %dma_start3A_23 : memref<1x105x96xi32, #tpu.memory_space<hbm>> -> memref<105x96xi32, #tpu.memory_space<hbm>>
      tpu.enqueue_dma source(%dma_start3A_24 : memref<105x96xi32, #tpu.memory_space<hbm>>) target(%arg7 : memref<105x96xi32, #tpu.memory_space<vmem>>) target_semaphore(%run_scoped3A : memref<!tpu.dma_semaphore, #tpu.memory_space<semaphore_mem>>)
      %dma_wait3A = arith.constant 0 : i32
      %dma_wait3A_25 = arith.constant 0 : i32
      %dma_wait3A_26 = tpu.memref_slice %arg2[%add3A, %dma_wait3A, %dma_wait3A_25] : memref<32x105x96xi32, #tpu.memory_space<hbm>> -> memref<1x105x96xi32, #tpu.memory_space<hbm>>
      %dma_wait3A_27 = tpu.memref_squeeze %dma_wait3A_26 : memref<1x105x96xi32, #tpu.memory_space<hbm>> -> memref<105x96xi32, #tpu.memory_space<hbm>>
      %dma_wait3A_28 = arith.constant 0 : i32
      %dma_wait3A_29 = arith.constant 0 : i32
      %dma_wait3A_30 = tpu.memref_slice %arg2[%add3A, %dma_wait3A_28, %dma_wait3A_29] : memref<32x105x96xi32, #tpu.memory_space<hbm>> -> memref<1x105x96xi32, #tpu.memory_space<hbm>>
      %dma_wait3A_31 = tpu.memref_squeeze %dma_wait3A_30 : memref<1x105x96xi32, #tpu.memory_space<hbm>> -> memref<105x96xi32, #tpu.memory_space<hbm>>
      tpu.wait_dma2 semaphore(%run_scoped3A : memref<!tpu.dma_semaphore, #tpu.memory_space<semaphore_mem>>) src(%dma_wait3A_31 : memref<105x96xi32, #tpu.memory_space<hbm>>) dst(%arg7 : memref<105x96xi32, #tpu.memory_space<vmem>>)
      tpu.yield
    }) : () -> ()
    "tpu.region"() ({
      %run_scoped3A = tpu.sem_alloc : memref<!tpu.dma_semaphore, #tpu.memory_space<semaphore_mem>>
      %dma_start3A = arith.constant 0 : i32
      %dma_start3A_18 = arith.constant 0 : i32
      %dma_start3A_19 = tpu.memref_slice %arg3[%add3A, %dma_start3A, %dma_start3A_18] : memref<32x105x96xi32, #tpu.memory_space<hbm>> -> memref<1x105x96xi32, #tpu.memory_space<hbm>>
      %dma_start3A_20 = tpu.memref_squeeze %dma_start3A_19 : memref<1x105x96xi32, #tpu.memory_space<hbm>> -> memref<105x96xi32, #tpu.memory_space<hbm>>
      %dma_start3A_21 = arith.constant 0 : i32
      %dma_start3A_22 = arith.constant 0 : i32
      %dma_start3A_23 = tpu.memref_slice %arg3[%add3A, %dma_start3A_21, %dma_start3A_22] : memref<32x105x96xi32, #tpu.memory_space<hbm>> -> memref<1x105x96xi32, #tpu.memory_space<hbm>>
      %dma_start3A_24 = tpu.memref_squeeze %dma_start3A_23 : memref<1x105x96xi32, #tpu.memory_space<hbm>> -> memref<105x96xi32, #tpu.memory_space<hbm>>
      tpu.enqueue_dma source(%dma_start3A_24 : memref<105x96xi32, #tpu.memory_space<hbm>>) target(%arg8 : memref<105x96xi32, #tpu.memory_space<vmem>>) target_semaphore(%run_scoped3A : memref<!tpu.dma_semaphore, #tpu.memory_space<semaphore_mem>>)
      %dma_wait3A = arith.constant 0 : i32
      %dma_wait3A_25 = arith.constant 0 : i32
      %dma_wait3A_26 = tpu.memref_slice %arg3[%add3A, %dma_wait3A, %dma_wait3A_25] : memref<32x105x96xi32, #tpu.memory_space<hbm>> -> memref<1x105x96xi32, #tpu.memory_space<hbm>>
      %dma_wait3A_27 = tpu.memref_squeeze %dma_wait3A_26 : memref<1x105x96xi32, #tpu.memory_space<hbm>> -> memref<105x96xi32, #tpu.memory_space<hbm>>
      %dma_wait3A_28 = arith.constant 0 : i32
      %dma_wait3A_29 = arith.constant 0 : i32
      %dma_wait3A_30 = tpu.memref_slice %arg3[%add3A, %dma_wait3A_28, %dma_wait3A_29] : memref<32x105x96xi32, #tpu.memory_space<hbm>> -> memref<1x105x96xi32, #tpu.memory_space<hbm>>
      %dma_wait3A_31 = tpu.memref_squeeze %dma_wait3A_30 : memref<1x105x96xi32, #tpu.memory_space<hbm>> -> memref<105x96xi32, #tpu.memory_space<hbm>>
      tpu.wait_dma2 semaphore(%run_scoped3A : memref<!tpu.dma_semaphore, #tpu.memory_space<semaphore_mem>>) src(%dma_wait3A_31 : memref<105x96xi32, #tpu.memory_space<hbm>>) dst(%arg8 : memref<105x96xi32, #tpu.memory_space<vmem>>)
      tpu.yield
    }) : () -> ()
    %barrier3A = arith.constant 0 : index
    tpu.barrier barrier_id(%barrier3A)
    %scan3A = arith.constant 0 : i32
    %scan3A_3 = arith.constant 0 : i32
    %scan3A_4 = arith.constant 105 : i32
    %scan3A_5 = arith.addi %scan3A_3, %scan3A_4 : i32
    %scan3A_6 = arith.constant 1 : i32
    scf.for %scan3A_18 = %scan3A_3 to %scan3A_5 step %scan3A_6  : i32 {
      "tpu.region"() ({
        %run_scoped3A = tpu.sem_alloc : memref<!tpu.dma_semaphore, #tpu.memory_space<semaphore_mem>>
        %dma_start3A = arith.constant 0 : i32
        %dma_start3A_19 = tpu.memref_slice %arg7[%scan3A_18, %dma_start3A] : memref<105x96xi32, #tpu.memory_space<vmem>> -> memref<1x96xi32, #tpu.memory_space<vmem>>
        %dma_start3A_20 = tpu.memref_squeeze %dma_start3A_19 : memref<1x96xi32, #tpu.memory_space<vmem>> -> memref<96xi32, #tpu.memory_space<vmem>>
        %dma_start3A_21 = arith.constant 0 : i32
        %dma_start3A_22 = arith.constant 0 : i32
        %dma_start3A_23 = tpu.memref_slice %arg4[%dma_start3A_21, %dma_start3A_22] : memref<10000x152xf32, #tpu.memory_space<hbm>> -> memref<10000x152xf32, #tpu.memory_space<hbm>>
        tpu.enqueue_indirect_dma source(%dma_start3A_23 : memref<10000x152xf32, #tpu.memory_space<hbm>>) target(%arg9 : memref<96x152xf32, #tpu.memory_space<vmem>>) offsets(%dma_start3A_20 : memref<96xi32, #tpu.memory_space<vmem>>) semaphore(%run_scoped3A : memref<!tpu.dma_semaphore, #tpu.memory_space<semaphore_mem>>)
        %dma_wait3A = arith.constant 0 : i32
        %dma_wait3A_24 = tpu.memref_slice %arg7[%scan3A_18, %dma_wait3A] : memref<105x96xi32, #tpu.memory_space<vmem>> -> memref<1x96xi32, #tpu.memory_space<vmem>>
        %dma_wait3A_25 = tpu.memref_squeeze %dma_wait3A_24 : memref<1x96xi32, #tpu.memory_space<vmem>> -> memref<96xi32, #tpu.memory_space<vmem>>
        %dma_wait3A_26 = arith.constant 0 : i32
        %dma_wait3A_27 = arith.constant 0 : i32
        %dma_wait3A_28 = tpu.memref_slice %arg4[%dma_wait3A_26, %dma_wait3A_27] : memref<10000x152xf32, #tpu.memory_space<hbm>> -> memref<10000x152xf32, #tpu.memory_space<hbm>>
        tpu.wait_indirect_dma semaphore(%run_scoped3A : memref<!tpu.dma_semaphore, #tpu.memory_space<semaphore_mem>>) src(%dma_wait3A_28 : memref<10000x152xf32, #tpu.memory_space<hbm>>) dst(%arg9 : memref<96x152xf32, #tpu.memory_space<vmem>>)
        tpu.yield
      }) : () -> ()
      "tpu.region"() ({
        %run_scoped3A = tpu.sem_alloc : memref<!tpu.dma_semaphore, #tpu.memory_space<semaphore_mem>>
        %dma_start3A = arith.constant 0 : i32
        %dma_start3A_19 = tpu.memref_slice %arg8[%scan3A_18, %dma_start3A] : memref<105x96xi32, #tpu.memory_space<vmem>> -> memref<1x96xi32, #tpu.memory_space<vmem>>
        %dma_start3A_20 = tpu.memref_squeeze %dma_start3A_19 : memref<1x96xi32, #tpu.memory_space<vmem>> -> memref<96xi32, #tpu.memory_space<vmem>>
        %dma_start3A_21 = arith.constant 0 : i32
        %dma_start3A_22 = arith.constant 0 : i32
        %dma_start3A_23 = tpu.memref_slice %arg10[%dma_start3A_21, %dma_start3A_22] : memref<10008x152xf32, #tpu.memory_space<vmem_shared>> -> memref<10008x152xf32, #tpu.memory_space<vmem_shared>>
        tpu.enqueue_indirect_dma source(%arg9 : memref<96x152xf32, #tpu.memory_space<vmem>>) target(%dma_start3A_23 : memref<10008x152xf32, #tpu.memory_space<vmem_shared>>) offsets(%dma_start3A_20 : memref<96xi32, #tpu.memory_space<vmem>>) semaphore(%run_scoped3A : memref<!tpu.dma_semaphore, #tpu.memory_space<semaphore_mem>>) {add = true}
        %dma_wait3A = arith.constant 0 : i32
        %dma_wait3A_24 = tpu.memref_slice %arg8[%scan3A_18, %dma_wait3A] : memref<105x96xi32, #tpu.memory_space<vmem>> -> memref<1x96xi32, #tpu.memory_space<vmem>>
        %dma_wait3A_25 = tpu.memref_squeeze %dma_wait3A_24 : memref<1x96xi32, #tpu.memory_space<vmem>> -> memref<96xi32, #tpu.memory_space<vmem>>
        %dma_wait3A_26 = arith.constant 0 : i32
        %dma_wait3A_27 = arith.constant 0 : i32
        %dma_wait3A_28 = tpu.memref_slice %arg10[%dma_wait3A_26, %dma_wait3A_27] : memref<10008x152xf32, #tpu.memory_space<vmem_shared>> -> memref<10008x152xf32, #tpu.memory_space<vmem_shared>>
        tpu.wait_indirect_dma semaphore(%run_scoped3A : memref<!tpu.dma_semaphore, #tpu.memory_space<semaphore_mem>>) src(%arg9 : memref<96x152xf32, #tpu.memory_space<vmem>>) dst(%dma_wait3A_28 : memref<10008x152xf32, #tpu.memory_space<vmem_shared>>)
        tpu.yield
      }) : () -> ()
    }
    %scan3A_7 = arith.constant 105 : i32
    %barrier3A_8 = arith.constant 0 : index
    tpu.barrier barrier_id(%barrier3A_8)
    %mul3A_9 = arith.constant 624 : i32
    %mul3A_10 = arith.muli %arg1, %mul3A_9 : i32
    %mul3A_11 = arith.constant 624 : i32
    %mul3A_12 = arith.muli %arg1, %mul3A_11 : i32
    "tpu.region"() ({
      %run_scoped3A = tpu.sem_alloc : memref<!tpu.dma_semaphore, #tpu.memory_space<semaphore_mem>>
      %dma_start3A = arith.constant 0 : i32
      %dma_start3A_18 = tpu.memref_slice %arg6[%arg0, %mul3A_12, %dma_start3A] : memref<2x10000x152xf32, #tpu.memory_space<hbm>> -> memref<1x624x152xf32, #tpu.memory_space<hbm>>
      %dma_start3A_19 = tpu.memref_squeeze %dma_start3A_18 : memref<1x624x152xf32, #tpu.memory_space<hbm>> -> memref<624x152xf32, #tpu.memory_space<hbm>>
      %dma_start3A_20 = arith.constant 0 : i32
      %dma_start3A_21 = tpu.memref_slice %arg10[%mul3A_10, %dma_start3A_20] : memref<10008x152xf32, #tpu.memory_space<vmem_shared>> -> memref<624x152xf32, #tpu.memory_space<vmem_shared>>
      tpu.enqueue_dma source(%dma_start3A_21 : memref<624x152xf32, #tpu.memory_space<vmem_shared>>) target(%dma_start3A_19 : memref<624x152xf32, #tpu.memory_space<hbm>>) target_semaphore(%run_scoped3A : memref<!tpu.dma_semaphore, #tpu.memory_space<semaphore_mem>>)
      %dma_wait3A = arith.constant 0 : i32
      %dma_wait3A_22 = tpu.memref_slice %arg6[%arg0, %mul3A_12, %dma_wait3A] : memref<2x10000x152xf32, #tpu.memory_space<hbm>> -> memref<1x624x152xf32, #tpu.memory_space<hbm>>
      %dma_wait3A_23 = tpu.memref_squeeze %dma_wait3A_22 : memref<1x624x152xf32, #tpu.memory_space<hbm>> -> memref<624x152xf32, #tpu.memory_space<hbm>>
      %dma_wait3A_24 = arith.constant 0 : i32
      %dma_wait3A_25 = tpu.memref_slice %arg10[%mul3A_10, %dma_wait3A_24] : memref<10008x152xf32, #tpu.memory_space<vmem_shared>> -> memref<624x152xf32, #tpu.memory_space<vmem_shared>>
      tpu.wait_dma2 semaphore(%run_scoped3A : memref<!tpu.dma_semaphore, #tpu.memory_space<semaphore_mem>>) src(%dma_wait3A_25 : memref<624x152xf32, #tpu.memory_space<vmem_shared>>) dst(%dma_wait3A_23 : memref<624x152xf32, #tpu.memory_space<hbm>>)
      tpu.yield
    }) : () -> ()
    %eq3A_13 = arith.constant 15 : i32
    %eq3A_14 = arith.cmpi eq, %arg1, %eq3A_13 : i32
    %convert_element_type3A_15 = arith.extui %eq3A_14 : i1 to i32
    %cond3A_16 = arith.constant 0 : i32
    %cond3A_17 = arith.cmpi ne, %convert_element_type3A_15, %cond3A_16 : i32
    scf.if %cond3A_17 {
      "tpu.region"() ({
        %run_scoped3A = tpu.sem_alloc : memref<!tpu.dma_semaphore, #tpu.memory_space<semaphore_mem>>
        %dma_start3A = arith.constant 9984 : i32
        %dma_start3A_18 = arith.constant 0 : i32
        %dma_start3A_19 = tpu.memref_slice %arg6[%arg0, %dma_start3A, %dma_start3A_18] : memref<2x10000x152xf32, #tpu.memory_space<hbm>> -> memref<1x16x152xf32, #tpu.memory_space<hbm>>
        %dma_start3A_20 = tpu.memref_squeeze %dma_start3A_19 : memref<1x16x152xf32, #tpu.memory_space<hbm>> -> memref<16x152xf32, #tpu.memory_space<hbm>>
        %dma_start3A_21 = arith.constant 9984 : i32
        %dma_start3A_22 = arith.constant 0 : i32
        %dma_start3A_23 = tpu.memref_slice %arg10[%dma_start3A_21, %dma_start3A_22] : memref<10008x152xf32, #tpu.memory_space<vmem_shared>> -> memref<16x152xf32, #tpu.memory_space<vmem_shared>>
        tpu.enqueue_dma source(%dma_start3A_23 : memref<16x152xf32, #tpu.memory_space<vmem_shared>>) target(%dma_start3A_20 : memref<16x152xf32, #tpu.memory_space<hbm>>) target_semaphore(%run_scoped3A : memref<!tpu.dma_semaphore, #tpu.memory_space<semaphore_mem>>)
        %dma_wait3A = arith.constant 9984 : i32
        %dma_wait3A_24 = arith.constant 0 : i32
        %dma_wait3A_25 = tpu.memref_slice %arg6[%arg0, %dma_wait3A, %dma_wait3A_24] : memref<2x10000x152xf32, #tpu.memory_space<hbm>> -> memref<1x16x152xf32, #tpu.memory_space<hbm>>
        %dma_wait3A_26 = tpu.memref_squeeze %dma_wait3A_25 : memref<1x16x152xf32, #tpu.memory_space<hbm>> -> memref<16x152xf32, #tpu.memory_space<hbm>>
        %dma_wait3A_27 = arith.constant 9984 : i32
        %dma_wait3A_28 = arith.constant 0 : i32
        %dma_wait3A_29 = tpu.memref_slice %arg10[%dma_wait3A_27, %dma_wait3A_28] : memref<10008x152xf32, #tpu.memory_space<vmem_shared>> -> memref<16x152xf32, #tpu.memory_space<vmem_shared>>
        tpu.wait_dma2 semaphore(%run_scoped3A : memref<!tpu.dma_semaphore, #tpu.memory_space<semaphore_mem>>) src(%dma_wait3A_29 : memref<16x152xf32, #tpu.memory_space<vmem_shared>>) dst(%dma_wait3A_26 : memref<16x152xf32, #tpu.memory_space<hbm>>)
        tpu.yield
      }) : () -> ()
    } else {
    }
    return
  }
}

#map = affine_map<(d0, d1) -> (0, 0, 0)>
#map1 = affine_map<(d0, d1) -> (0)>
#map2 = affine_map<(d0, d1) -> (0, 0)>
module attributes {stable_mosaic.version = 14 : i64} {
  func.func @_sc_degree(%arg0: i32, %arg1: i32, %arg2: memref<32x125x80xi32, #tpu.memory_space<hbm>>, %arg3: memref<10000xf32, #tpu.memory_space<hbm>>, %arg4: memref<2x10000xf32, #tpu.memory_space<hbm>>, %arg5: memref<125x80xi32, #tpu.memory_space<vmem>>, %arg6: memref<80xf32, #tpu.memory_space<vmem>>, %arg7: memref<10000xf32, #tpu.memory_space<vmem_shared>>) attributes {dimension_semantics = [#tpu.dimension_semantics<core_parallel>, #tpu.dimension_semantics<subcore_parallel>], iteration_bounds = array<i64: 2, 16>, scalar_prefetch = 0 : i64, scratch_operands = 3 : i64, tpu.core_type = #tpu.core_type<sc_vector_subcore>, window_params = [{transform_indices = #map}, {transform_indices = #map1}, {transform_indices = #map2}]} {
    %mul3A = arith.constant 16 : i32
    %mul3A_0 = arith.muli %arg0, %mul3A : i32
    %add3A = arith.addi %mul3A_0, %arg1 : i32
    %eq3A = arith.constant 0 : i32
    %eq3A_1 = arith.cmpi eq, %arg1, %eq3A : i32
    %convert_element_type3A = arith.extui %eq3A_1 : i1 to i32
    %cond3A = arith.constant 0 : i32
    %cond3A_2 = arith.cmpi ne, %convert_element_type3A, %cond3A : i32
    scf.if %cond3A_2 {
      "tpu.region"() ({
        %run_scoped3A = tpu.sem_alloc : memref<!tpu.dma_semaphore, #tpu.memory_space<semaphore_mem>>
        tpu.enqueue_dma source(%arg3 : memref<10000xf32, #tpu.memory_space<hbm>>) target(%arg7 : memref<10000xf32, #tpu.memory_space<vmem_shared>>) target_semaphore(%run_scoped3A : memref<!tpu.dma_semaphore, #tpu.memory_space<semaphore_mem>>)
        tpu.wait_dma2 semaphore(%run_scoped3A : memref<!tpu.dma_semaphore, #tpu.memory_space<semaphore_mem>>) src(%arg3 : memref<10000xf32, #tpu.memory_space<hbm>>) dst(%arg7 : memref<10000xf32, #tpu.memory_space<vmem_shared>>)
        tpu.yield
      }) : () -> ()
    } else {
    }
    "tpu.region"() ({
      %run_scoped3A = tpu.sem_alloc : memref<!tpu.dma_semaphore, #tpu.memory_space<semaphore_mem>>
      %dma_start3A = arith.constant 0 : i32
      %dma_start3A_20 = arith.constant 0 : i32
      %dma_start3A_21 = tpu.memref_slice %arg2[%add3A, %dma_start3A, %dma_start3A_20] : memref<32x125x80xi32, #tpu.memory_space<hbm>> -> memref<1x125x80xi32, #tpu.memory_space<hbm>>
      %dma_start3A_22 = tpu.memref_squeeze %dma_start3A_21 : memref<1x125x80xi32, #tpu.memory_space<hbm>> -> memref<125x80xi32, #tpu.memory_space<hbm>>
      %dma_start3A_23 = arith.constant 0 : i32
      %dma_start3A_24 = arith.constant 0 : i32
      %dma_start3A_25 = tpu.memref_slice %arg2[%add3A, %dma_start3A_23, %dma_start3A_24] : memref<32x125x80xi32, #tpu.memory_space<hbm>> -> memref<1x125x80xi32, #tpu.memory_space<hbm>>
      %dma_start3A_26 = tpu.memref_squeeze %dma_start3A_25 : memref<1x125x80xi32, #tpu.memory_space<hbm>> -> memref<125x80xi32, #tpu.memory_space<hbm>>
      tpu.enqueue_dma source(%dma_start3A_26 : memref<125x80xi32, #tpu.memory_space<hbm>>) target(%arg5 : memref<125x80xi32, #tpu.memory_space<vmem>>) target_semaphore(%run_scoped3A : memref<!tpu.dma_semaphore, #tpu.memory_space<semaphore_mem>>)
      %dma_wait3A = arith.constant 0 : i32
      %dma_wait3A_27 = arith.constant 0 : i32
      %dma_wait3A_28 = tpu.memref_slice %arg2[%add3A, %dma_wait3A, %dma_wait3A_27] : memref<32x125x80xi32, #tpu.memory_space<hbm>> -> memref<1x125x80xi32, #tpu.memory_space<hbm>>
      %dma_wait3A_29 = tpu.memref_squeeze %dma_wait3A_28 : memref<1x125x80xi32, #tpu.memory_space<hbm>> -> memref<125x80xi32, #tpu.memory_space<hbm>>
      %dma_wait3A_30 = arith.constant 0 : i32
      %dma_wait3A_31 = arith.constant 0 : i32
      %dma_wait3A_32 = tpu.memref_slice %arg2[%add3A, %dma_wait3A_30, %dma_wait3A_31] : memref<32x125x80xi32, #tpu.memory_space<hbm>> -> memref<1x125x80xi32, #tpu.memory_space<hbm>>
      %dma_wait3A_33 = tpu.memref_squeeze %dma_wait3A_32 : memref<1x125x80xi32, #tpu.memory_space<hbm>> -> memref<125x80xi32, #tpu.memory_space<hbm>>
      tpu.wait_dma2 semaphore(%run_scoped3A : memref<!tpu.dma_semaphore, #tpu.memory_space<semaphore_mem>>) src(%dma_wait3A_33 : memref<125x80xi32, #tpu.memory_space<hbm>>) dst(%arg5 : memref<125x80xi32, #tpu.memory_space<vmem>>)
      tpu.yield
    }) : () -> ()
    %scan3A = arith.constant 0 : i32
    %scan3A_3 = arith.constant 0 : i32
    %scan3A_4 = arith.constant 5 : i32
    %scan3A_5 = arith.addi %scan3A_3, %scan3A_4 : i32
    %scan3A_6 = arith.constant 1 : i32
    scf.for %scan3A_20 = %scan3A_3 to %scan3A_5 step %scan3A_6  : i32 {
      %broadcast_in_dim3A = arith.constant 1.000000e+00 : f32
      %broadcast_in_dim3A_21 = vector.broadcast %broadcast_in_dim3A : f32 to vector<16xf32>
      %mul3A_22 = arith.constant 16 : i32
      %mul3A_23 = arith.muli %scan3A_20, %mul3A_22 : i32
      %swap3A = arith.index_cast %mul3A_23 : i32 to index
      %swap3A_24 = tpu.vector_load %arg6[%swap3A] {strides = array<i32>} : memref<80xf32, #tpu.memory_space<vmem>>, vector<16xf32>,
      %swap3A_25 = vector.shape_cast %swap3A_24 : vector<16xf32> to vector<16xf32>
      %swap3A_26 = vector.shape_cast %broadcast_in_dim3A_21 : vector<16xf32> to vector<16xf32>
      tpu.vector_store %arg6[%swap3A], %swap3A_26 {strides = array<i32>} : memref<80xf32, #tpu.memory_space<vmem>>, vector<16xf32>,
    }
    %scan3A_7 = arith.constant 5 : i32
    %barrier3A = arith.constant 0 : index
    tpu.barrier barrier_id(%barrier3A)
    %scan3A_8 = arith.constant 0 : i32
    %scan3A_9 = arith.constant 0 : i32
    %scan3A_10 = arith.constant 125 : i32
    %scan3A_11 = arith.addi %scan3A_9, %scan3A_10 : i32
    %scan3A_12 = arith.constant 1 : i32
    scf.for %scan3A_20 = %scan3A_9 to %scan3A_11 step %scan3A_12  : i32 {
      "tpu.region"() ({
        %run_scoped3A = tpu.sem_alloc : memref<!tpu.dma_semaphore, #tpu.memory_space<semaphore_mem>>
        %dma_start3A = arith.constant 0 : i32
        %dma_start3A_21 = tpu.memref_slice %arg5[%scan3A_20, %dma_start3A] : memref<125x80xi32, #tpu.memory_space<vmem>> -> memref<1x80xi32, #tpu.memory_space<vmem>>
        %dma_start3A_22 = tpu.memref_squeeze %dma_start3A_21 : memref<1x80xi32, #tpu.memory_space<vmem>> -> memref<80xi32, #tpu.memory_space<vmem>>
        %dma_start3A_23 = arith.constant 0 : i32
        %dma_start3A_24 = tpu.memref_slice %arg7[%dma_start3A_23] : memref<10000xf32, #tpu.memory_space<vmem_shared>> -> memref<10000xf32, #tpu.memory_space<vmem_shared>>
        tpu.enqueue_indirect_dma source(%arg6 : memref<80xf32, #tpu.memory_space<vmem>>) target(%dma_start3A_24 : memref<10000xf32, #tpu.memory_space<vmem_shared>>) offsets(%dma_start3A_22 : memref<80xi32, #tpu.memory_space<vmem>>) semaphore(%run_scoped3A : memref<!tpu.dma_semaphore, #tpu.memory_space<semaphore_mem>>) {add = true}
        %dma_wait3A = arith.constant 0 : i32
        %dma_wait3A_25 = tpu.memref_slice %arg5[%scan3A_20, %dma_wait3A] : memref<125x80xi32, #tpu.memory_space<vmem>> -> memref<1x80xi32, #tpu.memory_space<vmem>>
        %dma_wait3A_26 = tpu.memref_squeeze %dma_wait3A_25 : memref<1x80xi32, #tpu.memory_space<vmem>> -> memref<80xi32, #tpu.memory_space<vmem>>
        %dma_wait3A_27 = arith.constant 0 : i32
        %dma_wait3A_28 = tpu.memref_slice %arg7[%dma_wait3A_27] : memref<10000xf32, #tpu.memory_space<vmem_shared>> -> memref<10000xf32, #tpu.memory_space<vmem_shared>>
        tpu.wait_indirect_dma semaphore(%run_scoped3A : memref<!tpu.dma_semaphore, #tpu.memory_space<semaphore_mem>>) src(%arg6 : memref<80xf32, #tpu.memory_space<vmem>>) dst(%dma_wait3A_28 : memref<10000xf32, #tpu.memory_space<vmem_shared>>)
        tpu.yield
      }) : () -> ()
    }
    %scan3A_13 = arith.constant 125 : i32
    %barrier3A_14 = arith.constant 0 : index
    tpu.barrier barrier_id(%barrier3A_14)
    %eq3A_15 = arith.constant 0 : i32
    %eq3A_16 = arith.cmpi eq, %arg1, %eq3A_15 : i32
    %convert_element_type3A_17 = arith.extui %eq3A_16 : i1 to i32
    %cond3A_18 = arith.constant 0 : i32
    %cond3A_19 = arith.cmpi ne, %convert_element_type3A_17, %cond3A_18 : i32
    scf.if %cond3A_19 {
      "tpu.region"() ({
        %run_scoped3A = tpu.sem_alloc : memref<!tpu.dma_semaphore, #tpu.memory_space<semaphore_mem>>
        %dma_start3A = arith.constant 0 : i32
        %dma_start3A_20 = tpu.memref_slice %arg4[%arg0, %dma_start3A] : memref<2x10000xf32, #tpu.memory_space<hbm>> -> memref<1x10000xf32, #tpu.memory_space<hbm>>
        %dma_start3A_21 = tpu.memref_squeeze %dma_start3A_20 : memref<1x10000xf32, #tpu.memory_space<hbm>> -> memref<10000xf32, #tpu.memory_space<hbm>>
        tpu.enqueue_dma source(%arg7 : memref<10000xf32, #tpu.memory_space<vmem_shared>>) target(%dma_start3A_21 : memref<10000xf32, #tpu.memory_space<hbm>>) target_semaphore(%run_scoped3A : memref<!tpu.dma_semaphore, #tpu.memory_space<semaphore_mem>>)
        %dma_wait3A = arith.constant 0 : i32
        %dma_wait3A_22 = tpu.memref_slice %arg4[%arg0, %dma_wait3A] : memref<2x10000xf32, #tpu.memory_space<hbm>> -> memref<1x10000xf32, #tpu.memory_space<hbm>>
        %dma_wait3A_23 = tpu.memref_squeeze %dma_wait3A_22 : memref<1x10000xf32, #tpu.memory_space<hbm>> -> memref<10000xf32, #tpu.memory_space<hbm>>
        tpu.wait_dma2 semaphore(%run_scoped3A : memref<!tpu.dma_semaphore, #tpu.memory_space<semaphore_mem>>) src(%arg7 : memref<10000xf32, #tpu.memory_space<vmem_shared>>) dst(%dma_wait3A_23 : memref<10000xf32, #tpu.memory_space<hbm>>)
        tpu.yield
      }) : () -> ()
    } else {
    }
    return
  }
}

#map = affine_map<(d0, d1) -> (0, 0)>
#map1 = affine_map<(d0, d1) -> (0, 0, 0)>
module attributes {stable_mosaic.version = 14 : i64} {
  func.func @_sc_embed_gather(%arg0: i32, %arg1: i32, %arg2: memref<50000x304xf32, #tpu.memory_space<hbm>>, %arg3: memref<32x12x80xi32, #tpu.memory_space<hbm>>, %arg4: memref<30720x304xf32, #tpu.memory_space<hbm>>, %arg5: memref<12x80xi32, #tpu.memory_space<vmem>>, %arg6: memref<80x304xf32, #tpu.memory_space<vmem>>) attributes {dimension_semantics = [#tpu.dimension_semantics<core_parallel>, #tpu.dimension_semantics<subcore_parallel>], iteration_bounds = array<i64: 2, 16>, scalar_prefetch = 0 : i64, scratch_operands = 2 : i64, tpu.core_type = #tpu.core_type<sc_vector_subcore>, window_params = [{transform_indices = #map}, {transform_indices = #map1}, {transform_indices = #map}]} {
    %mul3A = arith.constant 16 : i32
    %mul3A_0 = arith.muli %arg0, %mul3A : i32
    %add3A = arith.addi %mul3A_0, %arg1 : i32
    "tpu.region"() ({
      %run_scoped3A = tpu.sem_alloc : memref<!tpu.dma_semaphore, #tpu.memory_space<semaphore_mem>>
      %dma_start3A = arith.constant 0 : i32
      %dma_start3A_6 = arith.constant 0 : i32
      %dma_start3A_7 = tpu.memref_slice %arg3[%add3A, %dma_start3A, %dma_start3A_6] : memref<32x12x80xi32, #tpu.memory_space<hbm>> -> memref<1x12x80xi32, #tpu.memory_space<hbm>>
      %dma_start3A_8 = tpu.memref_squeeze %dma_start3A_7 : memref<1x12x80xi32, #tpu.memory_space<hbm>> -> memref<12x80xi32, #tpu.memory_space<hbm>>
      %dma_start3A_9 = arith.constant 0 : i32
      %dma_start3A_10 = arith.constant 0 : i32
      %dma_start3A_11 = tpu.memref_slice %arg3[%add3A, %dma_start3A_9, %dma_start3A_10] : memref<32x12x80xi32, #tpu.memory_space<hbm>> -> memref<1x12x80xi32, #tpu.memory_space<hbm>>
      %dma_start3A_12 = tpu.memref_squeeze %dma_start3A_11 : memref<1x12x80xi32, #tpu.memory_space<hbm>> -> memref<12x80xi32, #tpu.memory_space<hbm>>
      tpu.enqueue_dma source(%dma_start3A_12 : memref<12x80xi32, #tpu.memory_space<hbm>>) target(%arg5 : memref<12x80xi32, #tpu.memory_space<vmem>>) target_semaphore(%run_scoped3A : memref<!tpu.dma_semaphore, #tpu.memory_space<semaphore_mem>>)
      %dma_wait3A = arith.constant 0 : i32
      %dma_wait3A_13 = arith.constant 0 : i32
      %dma_wait3A_14 = tpu.memref_slice %arg3[%add3A, %dma_wait3A, %dma_wait3A_13] : memref<32x12x80xi32, #tpu.memory_space<hbm>> -> memref<1x12x80xi32, #tpu.memory_space<hbm>>
      %dma_wait3A_15 = tpu.memref_squeeze %dma_wait3A_14 : memref<1x12x80xi32, #tpu.memory_space<hbm>> -> memref<12x80xi32, #tpu.memory_space<hbm>>
      %dma_wait3A_16 = arith.constant 0 : i32
      %dma_wait3A_17 = arith.constant 0 : i32
      %dma_wait3A_18 = tpu.memref_slice %arg3[%add3A, %dma_wait3A_16, %dma_wait3A_17] : memref<32x12x80xi32, #tpu.memory_space<hbm>> -> memref<1x12x80xi32, #tpu.memory_space<hbm>>
      %dma_wait3A_19 = tpu.memref_squeeze %dma_wait3A_18 : memref<1x12x80xi32, #tpu.memory_space<hbm>> -> memref<12x80xi32, #tpu.memory_space<hbm>>
      tpu.wait_dma2 semaphore(%run_scoped3A : memref<!tpu.dma_semaphore, #tpu.memory_space<semaphore_mem>>) src(%dma_wait3A_19 : memref<12x80xi32, #tpu.memory_space<hbm>>) dst(%arg5 : memref<12x80xi32, #tpu.memory_space<vmem>>)
      tpu.yield
    }) : () -> ()
    %scan3A = arith.constant 0 : i32
    %scan3A_1 = arith.constant 0 : i32
    %scan3A_2 = arith.constant 12 : i32
    %scan3A_3 = arith.addi %scan3A_1, %scan3A_2 : i32
    %scan3A_4 = arith.constant 1 : i32
    scf.for %scan3A_6 = %scan3A_1 to %scan3A_3 step %scan3A_4  : i32 {
      "tpu.region"() ({
        %run_scoped3A = tpu.sem_alloc : memref<!tpu.dma_semaphore, #tpu.memory_space<semaphore_mem>>
        %dma_start3A = arith.constant 0 : i32
        %dma_start3A_12 = tpu.memref_slice %arg5[%scan3A_6, %dma_start3A] : memref<12x80xi32, #tpu.memory_space<vmem>> -> memref<1x80xi32, #tpu.memory_space<vmem>>
        %dma_start3A_13 = tpu.memref_squeeze %dma_start3A_12 : memref<1x80xi32, #tpu.memory_space<vmem>> -> memref<80xi32, #tpu.memory_space<vmem>>
        %dma_start3A_14 = arith.constant 0 : i32
        %dma_start3A_15 = arith.constant 0 : i32
        %dma_start3A_16 = tpu.memref_slice %arg2[%dma_start3A_14, %dma_start3A_15] : memref<50000x304xf32, #tpu.memory_space<hbm>> -> memref<50000x304xf32, #tpu.memory_space<hbm>>
        tpu.enqueue_indirect_dma source(%dma_start3A_16 : memref<50000x304xf32, #tpu.memory_space<hbm>>) target(%arg6 : memref<80x304xf32, #tpu.memory_space<vmem>>) offsets(%dma_start3A_13 : memref<80xi32, #tpu.memory_space<vmem>>) semaphore(%run_scoped3A : memref<!tpu.dma_semaphore, #tpu.memory_space<semaphore_mem>>)
        %dma_wait3A = arith.constant 0 : i32
        %dma_wait3A_17 = tpu.memref_slice %arg5[%scan3A_6, %dma_wait3A] : memref<12x80xi32, #tpu.memory_space<vmem>> -> memref<1x80xi32, #tpu.memory_space<vmem>>
        %dma_wait3A_18 = tpu.memref_squeeze %dma_wait3A_17 : memref<1x80xi32, #tpu.memory_space<vmem>> -> memref<80xi32, #tpu.memory_space<vmem>>
        %dma_wait3A_19 = arith.constant 0 : i32
        %dma_wait3A_20 = arith.constant 0 : i32
        %dma_wait3A_21 = tpu.memref_slice %arg2[%dma_wait3A_19, %dma_wait3A_20] : memref<50000x304xf32, #tpu.memory_space<hbm>> -> memref<50000x304xf32, #tpu.memory_space<hbm>>
        tpu.wait_indirect_dma semaphore(%run_scoped3A : memref<!tpu.dma_semaphore, #tpu.memory_space<semaphore_mem>>) src(%dma_wait3A_21 : memref<50000x304xf32, #tpu.memory_space<hbm>>) dst(%arg6 : memref<80x304xf32, #tpu.memory_space<vmem>>)
        tpu.yield
      }) : () -> ()
      %mul3A_7 = arith.constant 960 : i32
      %mul3A_8 = arith.muli %add3A, %mul3A_7 : i32
      %mul3A_9 = arith.constant 80 : i32
      %mul3A_10 = arith.muli %scan3A_6, %mul3A_9 : i32
      %add3A_11 = arith.addi %mul3A_8, %mul3A_10 : i32
      "tpu.region"() ({
        %run_scoped3A = tpu.sem_alloc : memref<!tpu.dma_semaphore, #tpu.memory_space<semaphore_mem>>
        %dma_start3A = arith.constant 0 : i32
        %dma_start3A_12 = tpu.memref_slice %arg4[%add3A_11, %dma_start3A] : memref<30720x304xf32, #tpu.memory_space<hbm>> -> memref<80x304xf32, #tpu.memory_space<hbm>>
        %dma_start3A_13 = arith.constant 0 : i32
        %dma_start3A_14 = tpu.memref_slice %arg4[%add3A_11, %dma_start3A_13] : memref<30720x304xf32, #tpu.memory_space<hbm>> -> memref<80x304xf32, #tpu.memory_space<hbm>>
        tpu.enqueue_dma source(%arg6 : memref<80x304xf32, #tpu.memory_space<vmem>>) target(%dma_start3A_14 : memref<80x304xf32, #tpu.memory_space<hbm>>) target_semaphore(%run_scoped3A : memref<!tpu.dma_semaphore, #tpu.memory_space<semaphore_mem>>)
        %dma_wait3A = arith.constant 0 : i32
        %dma_wait3A_15 = tpu.memref_slice %arg4[%add3A_11, %dma_wait3A] : memref<30720x304xf32, #tpu.memory_space<hbm>> -> memref<80x304xf32, #tpu.memory_space<hbm>>
        %dma_wait3A_16 = arith.constant 0 : i32
        %dma_wait3A_17 = tpu.memref_slice %arg4[%add3A_11, %dma_wait3A_16] : memref<30720x304xf32, #tpu.memory_space<hbm>> -> memref<80x304xf32, #tpu.memory_space<hbm>>
        tpu.wait_dma2 semaphore(%run_scoped3A : memref<!tpu.dma_semaphore, #tpu.memory_space<semaphore_mem>>) src(%arg6 : memref<80x304xf32, #tpu.memory_space<vmem>>) dst(%dma_wait3A_17 : memref<80x304xf32, #tpu.memory_space<hbm>>)
        tpu.yield
      }) : () -> ()
    }
    %scan3A_5 = arith.constant 12 : i32
    return
  }
}

module attributes {stable_mosaic.version = 14 : i64} {
  func.func @kern(%arg0: i32, %arg1: memref<300x512xf32, #tpu.memory_space<vmem>>, %arg2: memref<512x304xf32, #tpu.memory_space<vmem>>) attributes {dimension_semantics = [#tpu.dimension_semantics<arbitrary>], iteration_bounds = array<i64: 98>, scalar_prefetch = 0 : i64, scratch_operands = 0 : i64, tpu.core_type = #tpu.core_type<tc>, window_params = [{transform_indices = @transform_0, window_bounds = array<i64: 300, 512>}, {transform_indices = @transform_1, window_bounds = array<i64: 512, 304>}]} {
    %get3A = arith.constant 0 : index
    %get3A_0 = arith.constant 0 : index
    %get3A_1 = vector.load %arg1[%get3A, %get3A_0] : memref<300x512xf32, #tpu.memory_space<vmem>>, vector<300x512xf32>
    %transpose3A = tpu.transpose %get3A_1, [1, 0] : vector<300x512xf32> -> vector<512x300xf32>
    %broadcast_in_dim3A = arith.constant 0.000000e+00 : f32
    %broadcast_in_dim3A_2 = vector.broadcast %broadcast_in_dim3A : f32 to vector<512x4xf32>
    %concatenate3A = tpu.concatenate %transpose3A, %broadcast_in_dim3A_2 in 1 : vector<512x300xf32>, vector<512x4xf32> -> vector<512x304xf32>
    %swap3A = arith.constant 0 : index
    %swap3A_3 = arith.constant 0 : index
    %swap3A_4 = vector.load %arg2[%swap3A, %swap3A_3] : memref<512x304xf32, #tpu.memory_space<vmem>>, vector<512x304xf32>
    tpu.vector_store %arg2[%swap3A, %swap3A_3], %concatenate3A {strides = array<i32>} : memref<512x304xf32, #tpu.memory_space<vmem>>, vector<512x304xf32>,
    return
  }
  func.func @transform_0(%arg0: i32) -> (i32, i32) {
    %c0_i32 = arith.constant 0 : i32
    %c0_i32_0 = arith.constant 0 : i32
    return %c0_i32, %arg0 : i32, i32
  }
  func.func @transform_1(%arg0: i32) -> (i32, i32) {
    %c0_i32 = arith.constant 0 : i32
    %c0_i32_0 = arith.constant 0 : i32
    return %arg0, %c0_i32 : i32, i32
  }
}

module attributes {stable_mosaic.version = 14 : i64} {
  func.func @kern(%arg0: memref<10000x2xf32, #tpu.memory_space<vmem>>, %arg1: memref<10000x1xf32, #tpu.memory_space<vmem>>) attributes {dimension_semantics = [], scalar_prefetch = 0 : i64, scratch_operands = 0 : i64, tpu.core_type = #tpu.core_type<tc>} {
    %get3A = arith.constant 0 : index
    %get3A_0 = arith.constant 0 : index
    %get3A_1 = vector.load %arg0[%get3A, %get3A_0] : memref<10000x2xf32, #tpu.memory_space<vmem>>, vector<10000x2xf32>
    %reduce_sum3A = arith.constant dense<0.000000e+00> : vector<10000xf32>
    %reduce_sum3A_2 = vector.multi_reduction <add>, %get3A_1, %reduce_sum3A [1] : vector<10000x2xf32> to vector<10000xf32>
    %broadcast_in_dim3A = vector.shape_cast %reduce_sum3A_2 : vector<10000xf32> to vector<10000x1xf32>
    %add3A = arith.constant 1.000000e+00 : f32
    %add3A_3 = vector.broadcast %add3A : f32 to vector<10000x1xf32>
    %add3A_4 = arith.addf %add3A_3, %broadcast_in_dim3A : vector<10000x1xf32>
    %rsqrt3A = math.rsqrt %add3A_4 : vector<10000x1xf32>
    %swap3A = arith.constant 0 : index
    %swap3A_5 = arith.constant 0 : index
    %swap3A_6 = vector.load %arg1[%swap3A, %swap3A_5] : memref<10000x1xf32, #tpu.memory_space<vmem>>, vector<10000x1xf32>
    tpu.vector_store %arg1[%swap3A, %swap3A_5], %rsqrt3A {strides = array<i32>} : memref<10000x1xf32, #tpu.memory_space<vmem>>, vector<10000x1xf32>,
    return
  }
}

module attributes {stable_mosaic.version = 14 : i64} {
  func.func @kern(%arg0: memref<10000x300xf32, #tpu.memory_space<vmem>>, %arg1: memref<300x150xf32, #tpu.memory_space<vmem>>, %arg2: memref<1x150xf32, #tpu.memory_space<vmem>>, %arg3: memref<10000x150xf32, #tpu.memory_space<vmem>>) attributes {dimension_semantics = [], scalar_prefetch = 0 : i64, scratch_operands = 0 : i64, tpu.core_type = #tpu.core_type<tc>} {
    %get3A = arith.constant 0 : index
    %get3A_0 = arith.constant 0 : index
    %get3A_1 = vector.load %arg0[%get3A, %get3A_0] : memref<10000x300xf32, #tpu.memory_space<vmem>>, vector<10000x300xf32>
    %get3A_2 = arith.constant 0 : index
    %get3A_3 = arith.constant 0 : index
    %get3A_4 = vector.load %arg1[%get3A_2, %get3A_3] : memref<300x150xf32, #tpu.memory_space<vmem>>, vector<300x150xf32>
    %dot_general3A = arith.constant dense<0.000000e+00> : vector<10000x150xf32>
    %dot_general3A_5 = tpu.matmul %get3A_1, %get3A_4, %dot_general3A {dimension_numbers = #tpu.dot_dimension_numbers<[1], [0], [0], [1], [0, 0, 1, 1], [], []>, transpose_lhs_hint = false} : vector<10000x300xf32>, vector<300x150xf32>, vector<10000x150xf32> -> vector<10000x150xf32>
    %get3A_6 = arith.constant 0 : index
    %get3A_7 = arith.constant 0 : index
    %get3A_8 = vector.load %arg2[%get3A_6, %get3A_7] : memref<1x150xf32, #tpu.memory_space<vmem>>, vector<1x150xf32>
    %add3A = vector.broadcast %get3A_8 : vector<1x150xf32> to vector<10000x150xf32>
    %add3A_9 = arith.addf %dot_general3A_5, %add3A : vector<10000x150xf32>
    %swap3A = arith.constant 0 : index
    %swap3A_10 = arith.constant 0 : index
    %swap3A_11 = vector.load %arg3[%swap3A, %swap3A_10] : memref<10000x150xf32, #tpu.memory_space<vmem>>, vector<10000x150xf32>
    tpu.vector_store %arg3[%swap3A, %swap3A_10], %add3A_9 {strides = array<i32>} : memref<10000x150xf32, #tpu.memory_space<vmem>>, vector<10000x150xf32>,
    return
  }
}

module attributes {stable_mosaic.version = 14 : i64} {
  func.func @kern(%arg0: memref<10000x150xf32, #tpu.memory_space<vmem>>, %arg1: memref<150x152xf32, #tpu.memory_space<vmem>>, %arg2: memref<10000x1xf32, #tpu.memory_space<vmem>>, %arg3: memref<10000x152xf32, #tpu.memory_space<vmem>>) attributes {dimension_semantics = [], scalar_prefetch = 0 : i64, scratch_operands = 0 : i64, tpu.core_type = #tpu.core_type<tc>} {
    %get3A = arith.constant 0 : index
    %get3A_0 = arith.constant 0 : index
    %get3A_1 = vector.load %arg0[%get3A, %get3A_0] : memref<10000x150xf32, #tpu.memory_space<vmem>>, vector<10000x150xf32>
    %get3A_2 = arith.constant 0 : index
    %get3A_3 = arith.constant 0 : index
    %get3A_4 = vector.load %arg1[%get3A_2, %get3A_3] : memref<150x152xf32, #tpu.memory_space<vmem>>, vector<150x152xf32>
    %dot_general3A = arith.constant dense<0.000000e+00> : vector<10000x152xf32>
    %dot_general3A_5 = tpu.matmul %get3A_1, %get3A_4, %dot_general3A {dimension_numbers = #tpu.dot_dimension_numbers<[1], [0], [0], [1], [0, 0, 1, 1], [], []>, transpose_lhs_hint = false} : vector<10000x150xf32>, vector<150x152xf32>, vector<10000x152xf32> -> vector<10000x152xf32>
    %get3A_6 = arith.constant 0 : index
    %get3A_7 = arith.constant 0 : index
    %get3A_8 = vector.load %arg2[%get3A_6, %get3A_7] : memref<10000x1xf32, #tpu.memory_space<vmem>>, vector<10000x1xf32>
    %mul3A = vector.broadcast %get3A_8 : vector<10000x1xf32> to vector<10000x152xf32>
    %mul3A_9 = arith.mulf %dot_general3A_5, %mul3A : vector<10000x152xf32>
    %swap3A = arith.constant 0 : index
    %swap3A_10 = arith.constant 0 : index
    %swap3A_11 = vector.load %arg3[%swap3A, %swap3A_10] : memref<10000x152xf32, #tpu.memory_space<vmem>>, vector<10000x152xf32>
    tpu.vector_store %arg3[%swap3A, %swap3A_10], %mul3A_9 {strides = array<i32>} : memref<10000x152xf32, #tpu.memory_space<vmem>>, vector<10000x152xf32>,
    return
  }
}

module attributes {stable_mosaic.version = 14 : i64} {
  func.func @kern(%arg0: memref<2x10000x152xf32, #tpu.memory_space<vmem>>, %arg1: memref<10000x152xf32, #tpu.memory_space<vmem>>, %arg2: memref<10000x1xf32, #tpu.memory_space<vmem>>, %arg3: memref<1x152xf32, #tpu.memory_space<vmem>>, %arg4: memref<10000x152xf32, #tpu.memory_space<vmem>>) attributes {dimension_semantics = [], scalar_prefetch = 0 : i64, scratch_operands = 0 : i64, tpu.core_type = #tpu.core_type<tc>} {
    %get3A = arith.constant 0 : index
    %get3A_0 = arith.constant 0 : index
    %get3A_1 = arith.constant 0 : index
    %get3A_2 = vector.load %arg0[%get3A, %get3A_0, %get3A_1] : memref<2x10000x152xf32, #tpu.memory_space<vmem>>, vector<1x10000x152xf32>
    %get3A_3 = vector.shape_cast %get3A_2 : vector<1x10000x152xf32> to vector<10000x152xf32>
    %get3A_4 = arith.constant 1 : index
    %get3A_5 = arith.constant 0 : index
    %get3A_6 = arith.constant 0 : index
    %get3A_7 = vector.load %arg0[%get3A_4, %get3A_5, %get3A_6] : memref<2x10000x152xf32, #tpu.memory_space<vmem>>, vector<1x10000x152xf32>
    %get3A_8 = vector.shape_cast %get3A_7 : vector<1x10000x152xf32> to vector<10000x152xf32>
    %add3A = arith.addf %get3A_3, %get3A_8 : vector<10000x152xf32>
    %get3A_9 = arith.constant 0 : index
    %get3A_10 = arith.constant 0 : index
    %get3A_11 = vector.load %arg1[%get3A_9, %get3A_10] : memref<10000x152xf32, #tpu.memory_space<vmem>>, vector<10000x152xf32>
    %add3A_12 = arith.addf %add3A, %get3A_11 : vector<10000x152xf32>
    %get3A_13 = arith.constant 0 : index
    %get3A_14 = arith.constant 0 : index
    %get3A_15 = vector.load %arg2[%get3A_13, %get3A_14] : memref<10000x1xf32, #tpu.memory_space<vmem>>, vector<10000x1xf32>
    %mul3A = vector.broadcast %get3A_15 : vector<10000x1xf32> to vector<10000x152xf32>
    %mul3A_16 = arith.mulf %add3A_12, %mul3A : vector<10000x152xf32>
    %get3A_17 = arith.constant 0 : index
    %get3A_18 = arith.constant 0 : index
    %get3A_19 = vector.load %arg3[%get3A_17, %get3A_18] : memref<1x152xf32, #tpu.memory_space<vmem>>, vector<1x152xf32>
    %add3A_20 = vector.broadcast %get3A_19 : vector<1x152xf32> to vector<10000x152xf32>
    %add3A_21 = arith.addf %mul3A_16, %add3A_20 : vector<10000x152xf32>
    %gt3A = arith.constant 0.000000e+00 : f32
    %gt3A_22 = vector.broadcast %gt3A : f32 to vector<10000x152xf32>
    %gt3A_23 = arith.cmpf ogt, %add3A_21, %gt3A_22 : vector<10000x152xf32>
    %min3A = arith.constant 0.000000e+00 : f32
    %min3A_24 = vector.broadcast %min3A : f32 to vector<10000x152xf32>
    %min3A_25 = arith.minimumf %add3A_21, %min3A_24 : vector<10000x152xf32>
    %exp3A = math.exp %min3A_25 : vector<10000x152xf32>
    %sub3A = arith.constant 1.000000e+00 : f32
    %sub3A_26 = vector.broadcast %sub3A : f32 to vector<10000x152xf32>
    %sub3A_27 = arith.subf %exp3A, %sub3A_26 : vector<10000x152xf32>
    %select_n3A = arith.select %gt3A_23, %add3A_21, %sub3A_27 : vector<10000x152xi1>, vector<10000x152xf32>
    %swap3A = arith.constant 0 : index
    %swap3A_28 = arith.constant 0 : index
    %swap3A_29 = vector.load %arg4[%swap3A, %swap3A_28] : memref<10000x152xf32, #tpu.memory_space<vmem>>, vector<10000x152xf32>
    tpu.vector_store %arg4[%swap3A, %swap3A_28], %select_n3A {strides = array<i32>} : memref<10000x152xf32, #tpu.memory_space<vmem>>, vector<10000x152xf32>,
    return
  }
}

module attributes {stable_mosaic.version = 14 : i64} {
  func.func @kern(%arg0: memref<10000x152xf32, #tpu.memory_space<vmem>>, %arg1: memref<152x152xf32, #tpu.memory_space<vmem>>, %arg2: memref<10000x1xf32, #tpu.memory_space<vmem>>, %arg3: memref<10000x152xf32, #tpu.memory_space<vmem>>) attributes {dimension_semantics = [], scalar_prefetch = 0 : i64, scratch_operands = 0 : i64, tpu.core_type = #tpu.core_type<tc>} {
    %get3A = arith.constant 0 : index
    %get3A_0 = arith.constant 0 : index
    %get3A_1 = vector.load %arg0[%get3A, %get3A_0] : memref<10000x152xf32, #tpu.memory_space<vmem>>, vector<10000x152xf32>
    %get3A_2 = arith.constant 0 : index
    %get3A_3 = arith.constant 0 : index
    %get3A_4 = vector.load %arg1[%get3A_2, %get3A_3] : memref<152x152xf32, #tpu.memory_space<vmem>>, vector<152x152xf32>
    %dot_general3A = arith.constant dense<0.000000e+00> : vector<10000x152xf32>
    %dot_general3A_5 = tpu.matmul %get3A_1, %get3A_4, %dot_general3A {dimension_numbers = #tpu.dot_dimension_numbers<[1], [0], [0], [1], [0, 0, 1, 1], [], []>, transpose_lhs_hint = false} : vector<10000x152xf32>, vector<152x152xf32>, vector<10000x152xf32> -> vector<10000x152xf32>
    %get3A_6 = arith.constant 0 : index
    %get3A_7 = arith.constant 0 : index
    %get3A_8 = vector.load %arg2[%get3A_6, %get3A_7] : memref<10000x1xf32, #tpu.memory_space<vmem>>, vector<10000x1xf32>
    %mul3A = vector.broadcast %get3A_8 : vector<10000x1xf32> to vector<10000x152xf32>
    %mul3A_9 = arith.mulf %dot_general3A_5, %mul3A : vector<10000x152xf32>
    %swap3A = arith.constant 0 : index
    %swap3A_10 = arith.constant 0 : index
    %swap3A_11 = vector.load %arg3[%swap3A, %swap3A_10] : memref<10000x152xf32, #tpu.memory_space<vmem>>, vector<10000x152xf32>
    tpu.vector_store %arg3[%swap3A, %swap3A_10], %mul3A_9 {strides = array<i32>} : memref<10000x152xf32, #tpu.memory_space<vmem>>, vector<10000x152xf32>,
    return
  }
}

module attributes {stable_mosaic.version = 14 : i64} {
  func.func @kern(%arg0: memref<2x10000x152xf32, #tpu.memory_space<vmem>>, %arg1: memref<10000x152xf32, #tpu.memory_space<vmem>>, %arg2: memref<10000x1xf32, #tpu.memory_space<vmem>>, %arg3: memref<1x152xf32, #tpu.memory_space<vmem>>, %arg4: memref<10000x152xf32, #tpu.memory_space<vmem>>) attributes {dimension_semantics = [], scalar_prefetch = 0 : i64, scratch_operands = 0 : i64, tpu.core_type = #tpu.core_type<tc>} {
    %get3A = arith.constant 0 : index
    %get3A_0 = arith.constant 0 : index
    %get3A_1 = arith.constant 0 : index
    %get3A_2 = vector.load %arg0[%get3A, %get3A_0, %get3A_1] : memref<2x10000x152xf32, #tpu.memory_space<vmem>>, vector<1x10000x152xf32>
    %get3A_3 = vector.shape_cast %get3A_2 : vector<1x10000x152xf32> to vector<10000x152xf32>
    %get3A_4 = arith.constant 1 : index
    %get3A_5 = arith.constant 0 : index
    %get3A_6 = arith.constant 0 : index
    %get3A_7 = vector.load %arg0[%get3A_4, %get3A_5, %get3A_6] : memref<2x10000x152xf32, #tpu.memory_space<vmem>>, vector<1x10000x152xf32>
    %get3A_8 = vector.shape_cast %get3A_7 : vector<1x10000x152xf32> to vector<10000x152xf32>
    %add3A = arith.addf %get3A_3, %get3A_8 : vector<10000x152xf32>
    %get3A_9 = arith.constant 0 : index
    %get3A_10 = arith.constant 0 : index
    %get3A_11 = vector.load %arg1[%get3A_9, %get3A_10] : memref<10000x152xf32, #tpu.memory_space<vmem>>, vector<10000x152xf32>
    %add3A_12 = arith.addf %add3A, %get3A_11 : vector<10000x152xf32>
    %get3A_13 = arith.constant 0 : index
    %get3A_14 = arith.constant 0 : index
    %get3A_15 = vector.load %arg2[%get3A_13, %get3A_14] : memref<10000x1xf32, #tpu.memory_space<vmem>>, vector<10000x1xf32>
    %mul3A = vector.broadcast %get3A_15 : vector<10000x1xf32> to vector<10000x152xf32>
    %mul3A_16 = arith.mulf %add3A_12, %mul3A : vector<10000x152xf32>
    %get3A_17 = arith.constant 0 : index
    %get3A_18 = arith.constant 0 : index
    %get3A_19 = vector.load %arg3[%get3A_17, %get3A_18] : memref<1x152xf32, #tpu.memory_space<vmem>>, vector<1x152xf32>
    %add3A_20 = vector.broadcast %get3A_19 : vector<1x152xf32> to vector<10000x152xf32>
    %add3A_21 = arith.addf %mul3A_16, %add3A_20 : vector<10000x152xf32>
    %swap3A = arith.constant 0 : index
    %swap3A_22 = arith.constant 0 : index
    %swap3A_23 = vector.load %arg4[%swap3A, %swap3A_22] : memref<10000x152xf32, #tpu.memory_space<vmem>>, vector<10000x152xf32>
    tpu.vector_store %arg4[%swap3A, %swap3A_22], %add3A_21 {strides = array<i32>} : memref<10000x152xf32, #tpu.memory_space<vmem>>, vector<10000x152xf32>,
    return
  }
}

</mosaic_0001>

<sc_bundles>
// kernel: kernel.13.cloned.1.call-start
scs
__scs_entry_jumppad:
0x0: {  	(pc) =	sbr.rel $0x88, $3  }
0x1: {  	(tag) =	ssettag $0x0;
	lr =	simm.s32 $0x1  }
0x2: {  	[smem:$0x3F75] =	sst lr;
	_ =	strace $0xD0000000  }
0x3: {  	_ = 	snop  }
0x4: {  	_ = 	snop  }
0x5: {  	_ = 	snop  }
0x6: {  	_ = 	snop  }
0x7: {  	_ = 	snop  }
__scs_overlays_trampoline_lowered:
0x8: {  	[smem:$0x3F84] =	sst s0  }
0x9: {  	[smem:$0x3F85] =	sst s1  }
0xa: {  	[smem:$0x3F86] =	sst s2  }
0xb: {  	[smem:$0x3F87] =	sst s3  }
0xc: {  	[smem:$0x3F88] =	sst s4  }
0xd: {  	[smem:$0x3F89] =	sst s5  }
0xe: {  	[smem:$0x3F8A] =	sst s6  }
0xf: {  	[smem:$0x3F8B] =	sst s7  }
0x10: {  	[smem:$0x3F8C] =	sst s8  }
0x11: {  	[smem:$0x3F8D] =	sst s9;
	s0 =	simm.s32 @!p0 $0x0  }
0x12: {  	s1 =	sld [smem:$0x3F73];
	s0 =	simm.s32 @p0 $0x1  }
0x13: {  	[smem:$0x3F8E] =	sst s0;
	s0 =	simm.s32 @!p1 $0x0  }
0x14: {  	s2 =	sld [smem:$0x3F72];
	s0 =	simm.s32 @p1 $0x1  }
0x15: {  	[smem:$0x3F8F] =	sst s0;
	s0 =	simm.s32 @!p2 $0x0  }
0x16: {  	s3 =	sld [smem:$0x3FDB];
	s0 =	simm.s32 @p2 $0x1  }
0x17: {  	s4 =	simm.s32 $0x1BF5;
	[smem:$0x3F91] =	sst s0  }
0x18: {  	s0 =	sld [smem:$0x3F74];
	_ =	swait.ge [sflag:s4], $0x0  }
0x19: {  	s7 =	sld [smem:$0x3F75]  }
0x1a: {  	s8 =	sadd.s32 $0xFFFFE003, lr  }
0x1b: {  	s9 =	sadd.s32 $0xFFFFFEF7, lr;
	s5 =	simm.s32 $0xFFFFFFFF;
	p2 =	slt.u32 s8, $0xFFFFF086  }
0x1c: {  	p1 =	slt.u32 s9, $0xF7A;
	s5 =	simm.s32 @!p2 $0x0  }
0x1d: {  	s5 =	simm.s32 @p1 $0x1;
	p0 =	seq.s32 s7, s2  }
0x1e: {  	s7 =	smul.u32 @!p0 $0xF7A, s2;
	p2 =	seq.s32 @!p0 s5, $0x0  }
0x1f: {  	s9 =	smul.u32 $0xF7A, s1;
	s8 =	simm.s32 @!p0 $0x1BF5;
	p2 =	por !p2, p0  }
0x20: {  	[sflag:s8] =	ssyncset.s32 @!p0 $0xFFFFF086;
	s6 =	sadd.s32 @!p0 s3, s7;
	s7 =	simm.s32 @!p0 $0x108  }
0x21: {  	s3 =	sadd.s32 s3, s9;
	s6 =	sadd.s32 @!p0 $0x88, s6;
	s7 =	simm.s32 @p2 $0x1082  }
0x22: {  	[simem:s7], [sflag:s8] =	dma.local @!p0 [hbm:s6], $0xF7A  }
0x23: {  	s9 =	sor.u32 $0xD0000000, s2;
	s6 =	simm.s32 $0x108;
	_ =	swait.ge @!p0 [sflag:s8], $0x0  }
0x24: {  	s3 =	sadd.s32 $0x88, s3;
	s6 =	simm.s32 @!p1 $0x1082;
	[sflag:s4] =	ssyncset.s32 $0xFFFFF086  }
0x25: {  	[simem:s6], [sflag:s4] =	dma.local [hbm:s3], $0xF7A  }
0x26: {  	[smem:$0x3F75] =	sst s1;
	(tag) =	ssettag s2;
	_ =	strace s9  }
0x27: {  	s1 =	sld [smem:$0x3F85]  }
0x28: {  	s2 =	sld [smem:$0x3F86]  }
0x29: {  	s4 =	sld [smem:$0x3F88]  }
0x2a: {  	p0 =	seq.s32 s5, $0x0;
	s5 =	sld [smem:$0x3F89]  }
0x2b: {  	s6 =	sld [smem:$0x3F8A]  }
0x2c: {  	s7 =	sld [smem:$0x3F8B]  }
0x2d: {  	s3 =	simm.s32 $0x108;
	s8 =	sld [smem:$0x3F8C]  }
0x2e: {  	s3 =	simm.s32 @!p0 $0x1082;
	s9 =	sld [smem:$0x3F8D]  }
0x2f: {  	lr =	sadd.s32 s0, s3;
	s0 =	sld [smem:$0x3F84]  }
0x30: {  	s3 =	sld [smem:$0x3F87]  }
0x31: {  	[smem:$0x3F90] =	sst s10  }
0x32: {  	s10 =	sld [smem:$0x3F8E];
	_ =	sdelay $0x3  }
0x33: {  	p0 =	seq.s32 s10, $0x1;
	s10 =	sld [smem:$0x3F90];
	_ =	sdelay $0x3  }
0x34: {  	[smem:$0x3F90] =	sst s10  }
0x35: {  	s10 =	sld [smem:$0x3F8F];
	_ =	sdelay $0x3  }
0x36: {  	p1 =	seq.s32 s10, $0x1;
	s10 =	sld [smem:$0x3F90];
	_ =	sdelay $0x3  }
0x37: {  	[smem:$0x3F90] =	sst s10  }
0x38: {  	s10 =	sld [smem:$0x3F91]  }
0x39: {  	_ = 	snop;
	(pc) =	sbr.ind lr, $3  }
0x3a: {  	_ = 	snop  }
0x3b: {  	_ = 	snop  }
0x3c: {  	p2 =	seq.s32 s10, $0x1;
	s10 =	sld [smem:$0x3F90]  }
0x3d: {  	_ =	shalt  }
0x3e: {  	_ =	shalt  }
0x3f: {  	_ =	shalt  }
0x40: {  	_ =	shalt  }
0x41: {  	_ =	shalt  }
0x42: {  	_ =	shalt  }
0x43: {  	_ =	shalt  }
0x44: {  	_ =	shalt  }
0x45: {  	_ =	shalt  }
0x46: {  	_ =	shalt  }
0x47: {  	_ =	shalt  }
0x48: {  	_ =	shalt  }
0x49: {  	_ =	shalt  }
0x4a: {  	_ =	shalt  }
0x4b: {  	_ =	shalt  }
0x4c: {  	_ =	shalt  }
0x4d: {  	_ =	shalt  }
0x4e: {  	_ =	shalt  }
0x4f: {  	_ =	shalt  }
0x50: {  	_ =	shalt  }
0x51: {  	_ =	shalt  }
0x52: {  	_ =	shalt  }
0x53: {  	_ =	shalt  }
0x54: {  	_ =	shalt  }
0x55: {  	_ =	shalt  }
0x56: {  	_ =	shalt  }
0x57: {  	_ =	shalt  }
0x58: {  	_ =	shalt  }
0x59: {  	_ =	shalt  }
0x5a: {  	_ =	shalt  }
0x5b: {  	_ =	shalt  }
0x5c: {  	_ =	shalt  }
0x5d: {  	_ =	shalt  }
0x5e: {  	_ =	shalt  }
0x5f: {  	_ =	shalt  }
0x60: {  	_ =	shalt  }
0x61: {  	_ =	shalt  }
0x62: {  	_ =	shalt  }
0x63: {  	_ =	shalt  }
0x64: {  	_ =	shalt  }
0x65: {  	_ =	shalt  }
0x66: {  	_ =	shalt  }
0x67: {  	_ =	shalt  }
0x68: {  	_ =	shalt  }
0x69: {  	_ =	shalt  }
0x6a: {  	_ =	shalt  }
0x6b: {  	_ =	shalt  }
0x6c: {  	_ =	shalt  }
0x6d: {  	_ =	shalt  }
0x6e: {  	_ =	shalt  }
0x6f: {  	_ =	shalt  }
0x70: {  	_ =	shalt  }
0x71: {  	_ =	shalt  }
0x72: {  	_ =	shalt  }
0x73: {  	_ =	shalt  }
0x74: {  	_ =	shalt  }
0x75: {  	_ =	shalt  }
0x76: {  	_ =	shalt  }
0x77: {  	_ =	shalt  }
0x78: {  	_ =	shalt  }
0x79: {  	_ =	shalt  }
0x7a: {  	_ =	shalt  }
0x7b: {  	_ =	shalt  }
0x7c: {  	_ =	shalt  }
0x7d: {  	_ =	shalt  }
0x7e: {  	_ =	shalt  }
0x7f: {  	_ =	shalt  }
0x80: {  	_ =	shalt  }
0x81: {  	_ =	shalt  }
0x82: {  	_ =	shalt  }
0x83: {  	_ =	shalt  }
0x84: {  	_ =	shalt  }
0x85: {  	_ =	shalt  }
0x86: {  	_ =	shalt  }
0x87: {  	_ =	shalt  }
.Lfunc_end0:
.L_simem_size_0:
called_computation_lowered:
.L_overlay_start_0:
0x88: {  	s2 =	sld [smem:$0x3FD9]  }
0x89: {  	s3 =	sld [smem:$0x3FFE];
	_ =	sdelay $0x1  }
0x8a: {  	s1 =	srdreg.scid  }
0x8b: {  	s0 =	sand.u32 $0x1, s1  }
0x8c: {  	s17 =	sshll.u32 s0, $0xA;
	s2 =	sadd.s32 s3, s2  }
0x8d: {  	s2 =	sadd.s32 s2, s17  }
0x8e: {  	[smem:$0x3F9C] =	sst s2  }
0x8f: {  	_ = 	snop  }
0x90: {  	(tm) =	ssettm $0x1  }
0x91: {  	s18 =	sld [smem:$0x3FFB];
	_ =	sdelay $0x3  }
0x92: {  	_ =	strace s18  }
0x93: {  	s2 =	sld [smem:$0x3FFC];
	_ =	sdelay $0x3  }
0x94: {  	_ =	strace s2  }
0x95: {  	s2 =	sld [smem:$0x3FFD];
	_ =	sdelay $0x3  }
0x96: {  	_ =	strace s2  }
0x97: {  	_ =	strace $0x8FFFFFFF  }
0x98: {  	s19 =	sld [smem:$0x3FDB];
	_ =	sdelay $0x1  }
0x99: {  	s20 =	simm.s32 $_scs_section_size  }
0x9a: {  	s4 =	simm.s32 $_size__tile_overlayer_lowered;
	s5 =	simm.s32 $_tile_overlayer_lowered  }
0x9b: {  	s6 =	simm.s32 $0x1BFF;
	s21 =	sshll.u32 s5, $0x1;
	s3 =	sadd.s32 s20, s19  }
0x9c: {  	s22 =	simm.s32 $0x0;
	s4 =	sshll.u32 s4, $0x1;
	s5 =	sadd.s32 s21, s3  }
0x9d: {  	[timem:s22], [sflag:s6] =	dma.local [hbm:s5], s4  }
0x9e: {  	_ =	swait.ge [sflag:s6], s4  }
0x9f: {  	s4 =	ssub.s32 $0x0, s4;
	[sflag:s6] =	ssyncset.done $0x0  }
0xa0: {  	[sflag:s6] =	ssyncadd.s32 s4;
	_ =	sdelay $0x1  }
0xa1: {  	s23 =	simm.s32 $0x1B8B  }
0xa2: {  	_ =	swait.ge [sflag:s23], $0x1  }
0xa3: {  	[sflag:s23] =	ssyncset.done $0x0  }
0xa4: {  	[sflag:s23] =	ssyncadd.s32 $0xFFFFFFFF  }
0xa5: {  	s4 =	sld [smem:$0x0]  }
0xa6: {  	s5 =	sand.u32 $0xFFFFFFFE, s1  }
0xa7: {  	p0 =	sne.s32 s1, s5  }
0xa8: {  	s5 =	sshll.u32 @p0 s5, $0xE  }
0xa9: {  	s5 =	sadd.s32 @p0 $0x11B8D, s5;
	s6 =	sshll.u32 @p0 s4, $0x11  }
0xaa: {  	s5 =	sor.u32 @p0 s6, s5  }
0xab: {  	[sflag:s5] =	ssyncadd.remote.s32 @p0 $0x1;
	_ =	sdelay $0x1  }
0xac: {  	s5 =	simm.s32 @p0 $0x1B8D  }
0xad: {  	_ =	swait.eq @p0 [sflag:s5], $0x1  }
0xae: {  	[sflag:s5] =	ssyncadd.s32 @p0 $0xFFFFFFFF  }
0xaf: {  	s6 =	sshll.u32 @!p0 s1, $0xE  }
0xb0: {  	s6 =	sor.u32 @!p0 $0x4000, s6;
	s5 =	simm.s32 @!p0 $0x1B8D  }
0xb1: {  	s4 =	sshll.u32 @!p0 s4, $0x11;
	s6 =	sadd.s32 @!p0 $0x11B8D, s6;
	_ =	swait.eq @!p0 [sflag:s5], $0x1  }
0xb2: {  	s4 =	sor.u32 @!p0 s4, s6;
	[sflag:s5] =	ssyncadd.s32 @!p0 $0xFFFFFFFF  }
0xb3: {  	s25 =	simm.s32 $0x1B8E;
	s24 =	sld [smem:$0x3FFE];
	[sflag:s4] =	ssyncadd.remote.s32 @!p0 $0x1  }
0xb4: {  	s26 =	simm.s32 $execute0_lowered;
	[smem:$0x3FD2] =	sst s25  }
0xb5: {  	s5 =	sshll.u32 s26, $0x1;
	_ =	strace $0x80000049;
	[dreg:$0x1] =	wrdreg $0xFFFFFFFF  }
0xb6: {  	s28 =	simm.s32 $_size_execute0_lowered;
	s3 =	sadd.s32 s3, s5;
	[dreg:$0x0] =	wrdreg $0x0  }
0xb7: {  	s5 =	sshll.u32 s28, $0x1;
	[dreg:$0x2] =	wrdreg s3  }
0xb8: {  	[dreg:$0x3] =	wrdreg s5  }
0xb9: {  	[dreg:$0x4] =	wrdreg $0xC0  }
0xba: {  	_ =	task [dreg:s22], $0x5FFFF  }
0xbb: {  	[dreg:$0x1] =	wrdreg $0xFFFFFFFF  }
0xbc: {  	[dreg:$0x0] =	wrdreg $0x60  }
0xbd: {  	[dreg:$0x2] =	wrdreg s24  }
0xbe: {  	[dreg:$0x3] =	wrdreg $0x27600  }
0xbf: {  	[dreg:$0x4] =	wrdreg $0x9  }
0xc0: {  	_ =	task.clear_ibuf [dreg:s22], $0x5FFFF;
	_ =	strace $0x90000049  }
0xc1: {  	s29 =	simm.s32 $0x9;
	_ =	strace $0x8000004B  }
0xc2: {  	_ =	swait.ge [sflag:s29], $0x1  }
0xc3: {  	[sflag:s29] =	ssyncadd.s32 $0xFFFFFFFF  }
0xc4: {  	_ =	strace $0x9000004B  }
0xc5: {  	_ =	sfence  }
0xc6: {  	s30 =	sld [smem:$0x0];
	_ =	sdelay $0x2  }
0xc7: {  	s31 =	sshll.u32 s1, $0xD;
	s1 =	sshrl.u32 s1, $0x2  }
0xc8: {  	s4 =	sand.u32 $0x4000, s31;
	s1 =	sadd.s32 s1, s30  }
0xc9: {  	s0 =	sor.u32 s4, s0;
	s1 =	sshll.u32 s1, $0x11  }
0xca: {  	s0 =	sor.u32 s1, s0  }
0xcb: {  	s0 =	sadd.s32 $0x8F2B, s0  }
0xcc: {  	[sflag:s0] =	ssyncadd.remote.s32 $0x1  }
0xcd: {  	_ =	sfence.sel $0xFFFF  }
0xce: {  	[dreg:$0x0] =	wrdreg $0xFFFFFFFF;
	(pc) =	sbr.abs _section_cstart, $3  }
0xcf: {  	[dreg:$0x1] =	wrdreg $0xFFFFFFFF  }
0xd0: {  	_ =	task.clear_ibuf [dreg:s22], $0x2FFFF;
	_ =	strace $0x9FFFFFFF  }
0xd1: {  	(tm) =	ssettm $0x7FFFFFFF  }
tec
execute0_lowered:
.L_overlay_start_1:
0x0: {  	(tag) =	ssettag $0x1  }
0x1: {  	s0 =	srdreg.scid;
	s4 =	rddreg [dreg:$0x0]  }
0x2: {  	s6 =	stileid.u32;
	s1 =	rddreg [dreg:$0x1]  }
0x3: {  	s2 =	simm.s32 $0x0;
	s10 =	simm.s32 $0x2710;
	s11 =	simm.s32 $0x0  }
0x4: {  	s3 =	sand.u32 $0x1, s0;
	[smem:$0x7FF] =	sst s2;
	p0 =	sne.s32 s6, $0x0  }
0x5: {  	s0 =	sshll.u32 s3, $0x4;
	s7 =	smul.u32 $0x4E2, s3;
	s8 =	ssub.s32 $0x2, s3  }
0x6: {  	s3 =	sadd.s32 $0x131C00, s4;
	s5 =	sor.u32 s6, s0;
	s0 =	rddreg [dreg:$0x2]  }
0x7: {  	_ =	strace $0x8000004A;
	s9 =	sshrl.u32 s8, $0x1;
	s5 =	smul.u32 $0x4E2, s5  }
0x8: {  	s7 =	sadd.s32 s7, s4;
	s8 =	ssub.s32 s8, s9;
	s9 =	simm.s32 $0x50  }
0x9: {  	s6 =	smax.u32 s8, $0x1;
	s8 =	simm.s32 $0x1;
	s5 =	sadd.s32 s5, s4  }
0xa: {  	v0 =	vimm.f32 $1.000000000e+00;
	s4 =	sadd.s32 $0x127E00, s5;
	s5 =	sadd.s32 $0x132200, s7;
	s7 =	sshrl.u32 @!p0 s1, $0x3  }
.LBB2_1:
0xb: {  	s12 =	simm.s32 @!p0 $0x1C01  }
0xc: {  	[spmem:s7], [sflag:s12] =	dma.local @!p0 [hbm:s3], $0x4E2  }
0xd: {  	s12 =	simm.s32 @!p0 $0x1  }
0xe: {  	_ =	swait.ge @!p0 [sflag:s12], $0x4E2  }
0xf: {  	[sflag:s12] =	ssyncset.done @!p0 $0x0  }
0x10: {  	[sflag:s12] =	ssyncadd.s32 @!p0 $0xFFFFFB1E  }
0x11: {  	[tilespmem:s2], [sflag:$0x1] =	stream.linear.gather [hbm4b:s4+s2], $0x2710, $0x38;
	[tilespmem:$0x29D8] =	vst v63  }
0x12: {  	_ =	swait.ge [sflag:s8], $0x2710  }
0x13: {  	[sflag:s8] =	ssyncset.done $0x0  }
0x14: {  	[sflag:s8] =	ssyncadd.s32 $0xFFFFD8F0  }
0x15: {  	[tilespmem:$0x2710] =	vst v0  }
0x16: {  	[tilespmem:$0x2720] =	vst v0  }
0x17: {  	[tilespmem:$0x2730] =	vst v0  }
0x18: {  	[tilespmem:$0x2740] =	vst v0  }
0x19: {  	[tilespmem:$0x2750] =	vst v0  }
0x1a: {  	s31 =	simm.s32 $0x0;
	[bflag:$0x0] =	sbarrier.arrive $0xFFFF  }
0x1b: {  	[spmem:s1] =	stream.indirect.scatter.add.f32 [tilespmem:s10], [sflag:$0x1], $0x1, s31, s9, $0xb8;
	[tilespmem:$0x29D8] =	vst v63  }
0x1c: {  	_ =	swait.ge [sflag:s8], $0x50  }
0x1d: {  	s12 =	simm.s32 $0x140;
	[sflag:s8] =	ssyncset.done $0x0  }
.LBB2_2:
0x1e: {  	s13 =	sshra.s32 s12, $0x2;
	[sflag:s8] =	ssyncadd.s32 $0xFFFFFFB0;
	p1 =	sne.s32 s12, $0x9B00  }
0x1f: {  	[spmem:s1] =	stream.indirect.scatter.add.f32 [tilespmem:s10], [sflag:$0x1], $0x1, s13, s9, $0xb8;
	[tilespmem:$0x29D8] =	vst v63  }
.Ltmp0:
0x20: {  	_ = 	snop;
	(pc) =	sbr.rel @p1 .LBB2_2-.Ltmp0, $4  }
0x21: {  	_ = 	snop  }
0x22: {  	s12 =	sadd.s32 $0x140, s12  }
0x23: {  	_ =	swait.ge [sflag:s8], $0x50  }
0x24: {  	[sflag:s8] =	ssyncset.done $0x0  }
0x25: {  	[sflag:s8] =	ssyncadd.s32 $0xFFFFFFB0;
	s11 =	sadd.s32 $0x1, s11  }
0x26: {  	s12 =	simm.s32 @!p0 $0x1C01;
	[bflag:$0x0] =	sbarrier.arrive $0xFFFF;
	p1 =	sne.s32 s11, s6  }
0x27: {  	[hbm:s5], [sflag:s12] =	dma.local @!p0 [spmem:s7], $0x4E2  }
.Ltmp1:
0x28: {  	_ = 	snop;
	(pc) =	sbr.rel @p1 .LBB2_1-.Ltmp1, $4  }
0x29: {  	s12 =	simm.s32 @!p0 $0x1  }
0x2a: {  	_ =	swait.ge @!p0 [sflag:s12], $0x4E2  }
0x2b: {  	[sflag:s12] =	ssyncset.done @!p0 $0x0  }
0x2c: {  	[sflag:s12] =	ssyncadd.s32 @!p0 $0xFFFFFB1E  }
0x2d: {  	_ =	sfence.sel $0x180000  }
0x2e: {  	[bflag:$0x0] =	sbarrier.arrive $0xFFFF  }
0x2f: {  	_ =	strace $0x9000004A  }
0x30: {  	s0 =	sadd.s32 @!p0 $0x100000, s0;
	[bflag:$0x2] =	sbarrier.arrive $0xFFFF  }
0x31: {  	[sflag:s0] =	ssyncadd.tile.s32 @!p0 $0x1;
	_ =	shalt  }
.Lfunc_end2:
_tile_overlayer_lowered:
.L_overlay_start_2:
0x32: {  	(tag) =	ssettag $0x2  }
0x33: {  	s0 =	rddreg [dreg:$0x0];
	s2 =	stileid.u32  }
0x34: {  	s1 =	rddreg [dreg:$0x1];
	p0 =	sne.s32 s2, $0x0  }
0x35: {  	s3 =	rddreg [dreg:$0x2];
	[bflag:$0x3] =	sbarrier.arrive $0xFFFF;
	s2 =	simm.s32 @!p0 $0x1C01  }
0x36: {  	[timem:s3], [sflag:s2] =	dma.local @!p0 [hbm:s0], s1  }
0x37: {  	s0 =	simm.s32 @!p0 $0x1  }
0x38: {  	_ =	swait.ge @!p0 [sflag:s0], s1  }
0x39: {  	s1 =	ssub.s32 @!p0 $0x0, s1;
	[sflag:s0] =	ssyncset.done @!p0 $0x0  }
0x3a: {  	[sflag:s0] =	ssyncadd.s32 @!p0 s1  }
0x3b: {  	[bflag:$0x3] =	sbarrier.arrive $0xFFFF  }
0x3c: {  	_ =	shalt  }

// kernel: kernel.16.cloned.1.call-start
scs
__scs_entry_jumppad:
0x0: {  	(pc) =	sbr.rel $0x88, $3  }
0x1: {  	(tag) =	ssettag $0x0;
	lr =	simm.s32 $0x1  }
0x2: {  	[smem:$0x3F75] =	sst lr;
	_ =	strace $0xD0000000  }
0x3: {  	_ = 	snop  }
0x4: {  	_ = 	snop  }
0x5: {  	_ = 	snop  }
0x6: {  	_ = 	snop  }
0x7: {  	_ = 	snop  }
__scs_overlays_trampoline_lowered:
0x8: {  	[smem:$0x3F84] =	sst s0  }
0x9: {  	[smem:$0x3F85] =	sst s1  }
0xa: {  	[smem:$0x3F86] =	sst s2  }
0xb: {  	[smem:$0x3F87] =	sst s3  }
0xc: {  	[smem:$0x3F88] =	sst s4  }
0xd: {  	[smem:$0x3F89] =	sst s5  }
0xe: {  	[smem:$0x3F8A] =	sst s6  }
0xf: {  	[smem:$0x3F8B] =	sst s7  }
0x10: {  	[smem:$0x3F8C] =	sst s8  }
0x11: {  	[smem:$0x3F8D] =	sst s9;
	s0 =	simm.s32 @!p0 $0x0  }
0x12: {  	s1 =	sld [smem:$0x3F73];
	s0 =	simm.s32 @p0 $0x1  }
0x13: {  	[smem:$0x3F8E] =	sst s0;
	s0 =	simm.s32 @!p1 $0x0  }
0x14: {  	s2 =	sld [smem:$0x3F72];
	s0 =	simm.s32 @p1 $0x1  }
0x15: {  	[smem:$0x3F8F] =	sst s0;
	s0 =	simm.s32 @!p2 $0x0  }
0x16: {  	s3 =	sld [smem:$0x3FDB];
	s0 =	simm.s32 @p2 $0x1  }
0x17: {  	s4 =	simm.s32 $0x1BF5;
	[smem:$0x3F91] =	sst s0  }
0x18: {  	s0 =	sld [smem:$0x3F74];
	_ =	swait.ge [sflag:s4], $0x0  }
0x19: {  	s7 =	sld [smem:$0x3F75]  }
0x1a: {  	s8 =	sadd.s32 $0xFFFFE003, lr  }
0x1b: {  	s9 =	sadd.s32 $0xFFFFFEF7, lr;
	s5 =	simm.s32 $0xFFFFFFFF;
	p2 =	slt.u32 s8, $0xFFFFF086  }
0x1c: {  	p1 =	slt.u32 s9, $0xF7A;
	s5 =	simm.s32 @!p2 $0x0  }
0x1d: {  	s5 =	simm.s32 @p1 $0x1;
	p0 =	seq.s32 s7, s2  }
0x1e: {  	s7 =	smul.u32 @!p0 $0xF7A, s2;
	p2 =	seq.s32 @!p0 s5, $0x0  }
0x1f: {  	s9 =	smul.u32 $0xF7A, s1;
	s8 =	simm.s32 @!p0 $0x1BF5;
	p2 =	por !p2, p0  }
0x20: {  	[sflag:s8] =	ssyncset.s32 @!p0 $0xFFFFF086;
	s6 =	sadd.s32 @!p0 s3, s7;
	s7 =	simm.s32 @!p0 $0x108  }
0x21: {  	s3 =	sadd.s32 s3, s9;
	s6 =	sadd.s32 @!p0 $0x88, s6;
	s7 =	simm.s32 @p2 $0x1082  }
0x22: {  	[simem:s7], [sflag:s8] =	dma.local @!p0 [hbm:s6], $0xF7A  }
0x23: {  	s9 =	sor.u32 $0xD0000000, s2;
	s6 =	simm.s32 $0x108;
	_ =	swait.ge @!p0 [sflag:s8], $0x0  }
0x24: {  	s3 =	sadd.s32 $0x88, s3;
	s6 =	simm.s32 @!p1 $0x1082;
	[sflag:s4] =	ssyncset.s32 $0xFFFFF086  }
0x25: {  	[simem:s6], [sflag:s4] =	dma.local [hbm:s3], $0xF7A  }
0x26: {  	[smem:$0x3F75] =	sst s1;
	(tag) =	ssettag s2;
	_ =	strace s9  }
0x27: {  	s1 =	sld [smem:$0x3F85]  }
0x28: {  	s2 =	sld [smem:$0x3F86]  }
0x29: {  	s4 =	sld [smem:$0x3F88]  }
0x2a: {  	p0 =	seq.s32 s5, $0x0;
	s5 =	sld [smem:$0x3F89]  }
0x2b: {  	s6 =	sld [smem:$0x3F8A]  }
0x2c: {  	s7 =	sld [smem:$0x3F8B]  }
0x2d: {  	s3 =	simm.s32 $0x108;
	s8 =	sld [smem:$0x3F8C]  }
0x2e: {  	s3 =	simm.s32 @!p0 $0x1082;
	s9 =	sld [smem:$0x3F8D]  }
0x2f: {  	lr =	sadd.s32 s0, s3;
	s0 =	sld [smem:$0x3F84]  }
0x30: {  	s3 =	sld [smem:$0x3F87]  }
0x31: {  	[smem:$0x3F90] =	sst s10  }
0x32: {  	s10 =	sld [smem:$0x3F8E];
	_ =	sdelay $0x3  }
0x33: {  	p0 =	seq.s32 s10, $0x1;
	s10 =	sld [smem:$0x3F90];
	_ =	sdelay $0x3  }
0x34: {  	[smem:$0x3F90] =	sst s10  }
0x35: {  	s10 =	sld [smem:$0x3F8F];
	_ =	sdelay $0x3  }
0x36: {  	p1 =	seq.s32 s10, $0x1;
	s10 =	sld [smem:$0x3F90];
	_ =	sdelay $0x3  }
0x37: {  	[smem:$0x3F90] =	sst s10  }
0x38: {  	s10 =	sld [smem:$0x3F91]  }
0x39: {  	_ = 	snop;
	(pc) =	sbr.ind lr, $3  }
0x3a: {  	_ = 	snop  }
0x3b: {  	_ = 	snop  }
0x3c: {  	p2 =	seq.s32 s10, $0x1;
	s10 =	sld [smem:$0x3F90]  }
0x3d: {  	_ =	shalt  }
0x3e: {  	_ =	shalt  }
0x3f: {  	_ =	shalt  }
0x40: {  	_ =	shalt  }
0x41: {  	_ =	shalt  }
0x42: {  	_ =	shalt  }
0x43: {  	_ =	shalt  }
0x44: {  	_ =	shalt  }
0x45: {  	_ =	shalt  }
0x46: {  	_ =	shalt  }
0x47: {  	_ =	shalt  }
0x48: {  	_ =	shalt  }
0x49: {  	_ =	shalt  }
0x4a: {  	_ =	shalt  }
0x4b: {  	_ =	shalt  }
0x4c: {  	_ =	shalt  }
0x4d: {  	_ =	shalt  }
0x4e: {  	_ =	shalt  }
0x4f: {  	_ =	shalt  }
0x50: {  	_ =	shalt  }
0x51: {  	_ =	shalt  }
0x52: {  	_ =	shalt  }
0x53: {  	_ =	shalt  }
0x54: {  	_ =	shalt  }
0x55: {  	_ =	shalt  }
0x56: {  	_ =	shalt  }
0x57: {  	_ =	shalt  }
0x58: {  	_ =	shalt  }
0x59: {  	_ =	shalt  }
0x5a: {  	_ =	shalt  }
0x5b: {  	_ =	shalt  }
0x5c: {  	_ =	shalt  }
0x5d: {  	_ =	shalt  }
0x5e: {  	_ =	shalt  }
0x5f: {  	_ =	shalt  }
0x60: {  	_ =	shalt  }
0x61: {  	_ =	shalt  }
0x62: {  	_ =	shalt  }
0x63: {  	_ =	shalt  }
0x64: {  	_ =	shalt  }
0x65: {  	_ =	shalt  }
0x66: {  	_ =	shalt  }
0x67: {  	_ =	shalt  }
0x68: {  	_ =	shalt  }
0x69: {  	_ =	shalt  }
0x6a: {  	_ =	shalt  }
0x6b: {  	_ =	shalt  }
0x6c: {  	_ =	shalt  }
0x6d: {  	_ =	shalt  }
0x6e: {  	_ =	shalt  }
0x6f: {  	_ =	shalt  }
0x70: {  	_ =	shalt  }
0x71: {  	_ =	shalt  }
0x72: {  	_ =	shalt  }
0x73: {  	_ =	shalt  }
0x74: {  	_ =	shalt  }
0x75: {  	_ =	shalt  }
0x76: {  	_ =	shalt  }
0x77: {  	_ =	shalt  }
0x78: {  	_ =	shalt  }
0x79: {  	_ =	shalt  }
0x7a: {  	_ =	shalt  }
0x7b: {  	_ =	shalt  }
0x7c: {  	_ =	shalt  }
0x7d: {  	_ =	shalt  }
0x7e: {  	_ =	shalt  }
0x7f: {  	_ =	shalt  }
0x80: {  	_ =	shalt  }
0x81: {  	_ =	shalt  }
0x82: {  	_ =	shalt  }
0x83: {  	_ =	shalt  }
0x84: {  	_ =	shalt  }
0x85: {  	_ =	shalt  }
0x86: {  	_ =	shalt  }
0x87: {  	_ =	shalt  }
.Lfunc_end0:
.L_simem_size_0:
called_computation.1_lowered:
.L_overlay_start_0:
0x88: {  	s2 =	sld [smem:$0x3FD9]  }
0x89: {  	s3 =	sld [smem:$0x3FFE];
	_ =	sdelay $0x1  }
0x8a: {  	s1 =	srdreg.scid  }
0x8b: {  	s0 =	sand.u32 $0x1, s1  }
0x8c: {  	s14 =	sshll.u32 s0, $0xA;
	s2 =	sadd.s32 s3, s2  }
0x8d: {  	s2 =	sadd.s32 s2, s14  }
0x8e: {  	[smem:$0x3F9C] =	sst s2  }
0x8f: {  	_ = 	snop  }
0x90: {  	s2 =	sld [smem:$0x3FD0];
	_ =	sdelay $0x2  }
0x91: {  	s15 =	simm.s32 $0xB;
	s4 =	simm.s32 $0x10  }
0x92: {  	[smem:s4], [sflag:s15] =	dma.local [hbm:s2], $0x1  }
0x93: {  	_ =	swait.eq [sflag:s15], $0x1  }
0x94: {  	[sflag:s15] =	ssyncset.done $0x0  }
0x95: {  	[sflag:s15] =	ssyncadd.s32 $0xFFFFFFFF  }
0x96: {  	s16 =	sld [smem:$0x10];
	(tm) =	ssettm $0x1  }
0x97: {  	s17 =	sld [smem:$0x3FFB];
	_ =	sdelay $0x3  }
0x98: {  	_ =	strace s17  }
0x99: {  	s3 =	sld [smem:$0x3FFC];
	_ =	sdelay $0x3  }
0x9a: {  	_ =	strace s3  }
0x9b: {  	s3 =	sld [smem:$0x3FFD];
	_ =	sdelay $0x3  }
0x9c: {  	_ =	strace s3  }
0x9d: {  	_ =	strace $0x8FFFFFFF  }
0x9e: {  	s18 =	sld [smem:$0x3FDB];
	_ =	sdelay $0x1  }
0x9f: {  	s19 =	simm.s32 $_scs_section_size  }
0xa0: {  	s5 =	simm.s32 $_size__tile_overlayer_lowered;
	s6 =	simm.s32 $_tile_overlayer_lowered  }
0xa1: {  	s22 =	simm.s32 $0x1BFF;
	s21 =	sshll.u32 s6, $0x1;
	s3 =	sadd.s32 s19, s18  }
0xa2: {  	s7 =	simm.s32 $0x0;
	s20 =	sshll.u32 s5, $0x1;
	s5 =	sadd.s32 s21, s3  }
0xa3: {  	[timem:s7], [sflag:s22] =	dma.local [hbm:s5], s20  }
0xa4: {  	_ =	swait.ge [sflag:s22], s20  }
0xa5: {  	s4 =	ssub.s32 $0x0, s20;
	[sflag:s22] =	ssyncset.done $0x0  }
0xa6: {  	[sflag:s22] =	ssyncadd.s32 s4;
	_ =	sdelay $0x1  }
0xa7: {  	s23 =	simm.s32 $0x1B8B  }
0xa8: {  	_ =	swait.ge [sflag:s23], $0x1  }
0xa9: {  	[sflag:s23] =	ssyncset.done $0x0  }
0xaa: {  	s25 =	simm.s32 $0x1B8E;
	s24 =	sld [smem:$0x3FFE];
	[sflag:s23] =	ssyncadd.s32 $0xFFFFFFFF  }
0xab: {  	s26 =	simm.s32 $execute0_lowered;
	[smem:$0x3FD2] =	sst s25  }
0xac: {  	s5 =	sshll.u32 s26, $0x1;
	_ =	strace $0x80000046;
	[dreg:$0x1] =	wrdreg $0xFFFFFFFF  }
0xad: {  	s28 =	simm.s32 $_size_execute0_lowered;
	s3 =	sadd.s32 s3, s5;
	[dreg:$0x0] =	wrdreg $0x0  }
0xae: {  	s5 =	sshll.u32 s28, $0x1;
	[dreg:$0x2] =	wrdreg s3  }
0xaf: {  	[dreg:$0x3] =	wrdreg s5  }
0xb0: {  	[dreg:$0x4] =	wrdreg $0xC0  }
0xb1: {  	_ =	task [dreg:s7], $0x5FFFF  }
0xb2: {  	[dreg:$0x1] =	wrdreg $0xFFFFFFFF  }
0xb3: {  	[dreg:$0x0] =	wrdreg $0x60  }
0xb4: {  	[dreg:$0x2] =	wrdreg s24  }
0xb5: {  	[dreg:$0x3] =	wrdreg s16  }
0xb6: {  	[dreg:$0x4] =	wrdreg $0xA  }
0xb7: {  	_ =	task.clear_ibuf [dreg:s7], $0x5FFFF;
	_ =	strace $0x90000046  }
0xb8: {  	s29 =	simm.s32 $0xA;
	_ =	strace $0x80000048  }
0xb9: {  	_ =	swait.ge [sflag:s29], $0x1  }
0xba: {  	[sflag:s29] =	ssyncadd.s32 $0xFFFFFFFF  }
0xbb: {  	_ =	strace $0x90000048  }
0xbc: {  	_ =	sfence  }
0xbd: {  	s30 =	sld [smem:$0x0];
	_ =	sdelay $0x2  }
0xbe: {  	s31 =	sshll.u32 s1, $0xD;
	s1 =	sshrl.u32 s1, $0x2  }
0xbf: {  	s3 =	sand.u32 $0x4000, s31;
	s1 =	sadd.s32 s1, s30  }
0xc0: {  	s0 =	sor.u32 s3, s0;
	s1 =	sshll.u32 s1, $0x11  }
0xc1: {  	s0 =	sor.u32 s1, s0  }
0xc2: {  	s0 =	sadd.s32 $0x8F2B, s0  }
0xc3: {  	[sflag:s0] =	ssyncadd.remote.s32 $0x1  }
0xc4: {  	_ =	sfence.sel $0xFFFF  }
0xc5: {  	[dreg:$0x0] =	wrdreg $0xFFFFFFFF;
	(pc) =	sbr.abs _section_cstart, $3  }
0xc6: {  	[dreg:$0x1] =	wrdreg $0xFFFFFFFF  }
0xc7: {  	_ =	task.clear_ibuf [dreg:s7], $0x2FFFF;
	_ =	strace $0x9FFFFFFF  }
0xc8: {  	(tm) =	ssettm $0x7FFFFFFF  }
0xc9: {  	_ =	shalt  }
tec
execute0_lowered:
.L_overlay_start_1:
0x0: {  	(tag) =	ssettag $0x1  }
0x1: {  	s4 =	rddreg [dreg:$0x0]  }
0x2: {  	s5 =	rddreg [dreg:$0x1]  }
0x3: {  	s1 =	srdreg.scid;
	s0 =	rddreg [dreg:$0x2]  }
0x4: {  	s2 =	simm.s32 $0x0;
	s10 =	simm.s32 $0x0;
	s6 =	sand.u32 $0x1, s1  }
0x5: {  	s1 =	stileid.u32;
	s3 =	sshll.u32 s6, $0x4;
	s7 =	smul.u32 $0x8E800, s6  }
0x6: {  	[smem:$0x7FF] =	sst s2;
	s9 =	smul.u32 $0x8E80, s1;
	s3 =	sor.u32 s1, s3  }
0x7: {  	_ =	strace $0x80000047;
	s6 =	ssub.s32 $0x2, s6;
	s8 =	smul.u32 $0x3C0, s3  }
0x8: {  	s31 =	sshrl.u32 s6, $0x1;
	s3 =	sadd.s32 $0x254E00, s4;
	s7 =	sadd.s32 s7, s4  }
0x9: {  	s6 =	ssub.s32 s6, s31;
	s7 =	sadd.s32 s9, s7;
	s8 =	sshrl.u32 s8, $0x3  }
0xa: {  	s9 =	simm.s32 $0x3C0;
	s4 =	sadd.s32 s5, s8;
	s5 =	smax.u32 s6, $0x1  }
0xb: {  	s6 =	sadd.s32 $0xAE00, s7;
	s7 =	simm.s32 $0x1;
	s8 =	simm.s32 $0x50  }
.LBB2_1:
0xc: {  	[tilespmem:s2], [sflag:$0x1] =	stream.linear.gather [hbm4b:s4+s2], $0x3C0, $0x38;
	[tilespmem:$0x62C0] =	vst v63  }
0xd: {  	_ =	swait.ge [sflag:s7], $0x3C0  }
0xe: {  	[sflag:s7] =	ssyncset.done $0x0  }
0xf: {  	s11 =	simm.s32 $0x0;
	[sflag:s7] =	ssyncadd.s32 $0xFFFFFC40  }
0x10: {  	[tilespmem:s9], [sflag:$0x1] =	stream.indirect.gather [hbm4b:s3+s8], $0x130, s11, s8, $0xb8;
	[tilespmem:$0x62C0] =	vst v63  }
0x11: {  	_ =	swait.ge [sflag:s7], $0x5F00  }
0x12: {  	[sflag:s7] =	ssyncset.done $0x0  }
0x13: {  	[sflag:s7] =	ssyncadd.s32 $0xFFFFA100  }
0x14: {  	[hbm4b:s6+s2] =	stream.linear.scatter [tilespmem:s9], [sflag:$0x1], $0x5F00, $0x38;
	[tilespmem:$0x62C0] =	vst v63  }
0x15: {  	s12 =	simm.s32 $0x140;
	_ =	swait.ge [sflag:s7], $0x5F00  }
0x16: {  	s13 =	simm.s32 $0x280;
	s11 =	sadd.s32 $0xBE0, s6;
	[sflag:s7] =	ssyncset.done $0x0  }
.LBB2_2:
0x17: {  	s14 =	sshra.s32 s12, $0x2  }
0x18: {  	[sflag:s7] =	ssyncadd.s32 $0xFFFFA100;
	s12 =	smov.u32 s13;
	s15 =	sadd.s32 $0x140, s13  }
0x19: {  	[tilespmem:s9], [sflag:$0x1] =	stream.indirect.gather [hbm4b:s3+s8], $0x130, s14, s8, $0xb8;
	[tilespmem:$0x62C0] =	vst v63  }
0x1a: {  	p0 =	sne.s32 s13, $0xDC0;
	_ =	swait.ge [sflag:s7], $0x5F00  }
.Ltmp0:
0x1b: {  	[sflag:s7] =	ssyncset.done $0x0;
	(pc) =	sbr.rel @p0 .LBB2_2-.Ltmp0, $4  }
0x1c: {  	[sflag:s7] =	ssyncadd.s32 $0xFFFFA100  }
0x1d: {  	[hbm4b:s11+s2] =	stream.linear.scatter [tilespmem:s9], [sflag:$0x1], $0x5F00, $0x38;
	[tilespmem:$0x62C0] =	vst v63  }
0x1e: {  	_ =	swait.ge [sflag:s7], $0x5F00  }
0x1f: {  	s13 =	smov.u32 s15;
	s11 =	sadd.s32 $0xBE0, s11;
	[sflag:s7] =	ssyncset.done $0x0  }
0x20: {  	s12 =	sshra.s32 s12, $0x2;
	[sflag:s7] =	ssyncadd.s32 $0xFFFFA100  }
0x21: {  	[tilespmem:s9], [sflag:$0x1] =	stream.indirect.gather [hbm4b:s3+s8], $0x130, s12, s8, $0xb8;
	[tilespmem:$0x62C0] =	vst v63  }
0x22: {  	s10 =	sadd.s32 $0x1, s10;
	_ =	swait.ge [sflag:s7], $0x5F00  }
0x23: {  	p0 =	sne.s32 s10, s5;
	[sflag:s7] =	ssyncset.done $0x0  }
.Ltmp1:
0x24: {  	[sflag:s7] =	ssyncadd.s32 $0xFFFFA100;
	(pc) =	sbr.rel @p0 .LBB2_1-.Ltmp1, $4  }
0x25: {  	[hbm4b:s11+s2] =	stream.linear.scatter [tilespmem:s9], [sflag:$0x1], $0x5F00, $0x38;
	[tilespmem:$0x62C0] =	vst v63  }
0x26: {  	_ =	swait.ge [sflag:s7], $0x5F00  }
0x27: {  	[sflag:s7] =	ssyncset.done $0x0  }
0x28: {  	[sflag:s7] =	ssyncadd.s32 $0xFFFFA100  }
0x29: {  	_ =	sfence.sel $0x180000  }
0x2a: {  	[bflag:$0x0] =	sbarrier.arrive $0xFFFF  }
0x2b: {  	p0 =	sne.s32 s1, $0x0;
	_ =	strace $0x90000047  }
0x2c: {  	s0 =	sadd.s32 @!p0 $0x100000, s0;
	[bflag:$0x2] =	sbarrier.arrive $0xFFFF  }
0x2d: {  	[sflag:s0] =	ssyncadd.tile.s32 @!p0 $0x1;
	_ =	shalt  }
.Lfunc_end2:
_tile_overlayer_lowered:
.L_overlay_start_2:
0x2e: {  	(tag) =	ssettag $0x2  }
0x2f: {  	s0 =	rddreg [dreg:$0x0];
	s2 =	stileid.u32  }
0x30: {  	s1 =	rddreg [dreg:$0x1];
	p0 =	sne.s32 s2, $0x0  }
0x31: {  	s3 =	rddreg [dreg:$0x2];
	[bflag:$0x3] =	sbarrier.arrive $0xFFFF;
	s2 =	simm.s32 @!p0 $0x1C01  }
0x32: {  	[timem:s3], [sflag:s2] =	dma.local @!p0 [hbm:s0], s1  }
0x33: {  	s0 =	simm.s32 @!p0 $0x1  }
0x34: {  	_ =	swait.ge @!p0 [sflag:s0], s1  }
0x35: {  	s1 =	ssub.s32 @!p0 $0x0, s1;
	[sflag:s0] =	ssyncset.done @!p0 $0x0  }
0x36: {  	[sflag:s0] =	ssyncadd.s32 @!p0 s1  }
0x37: {  	[bflag:$0x3] =	sbarrier.arrive $0xFFFF  }
0x38: {  	_ =	shalt  }

// kernel: kernel.19.cloned.1.call-start
scs
__scs_entry_jumppad:
0x0: {  	(pc) =	sbr.rel $0x88, $3  }
0x1: {  	(tag) =	ssettag $0x0;
	lr =	simm.s32 $0x1  }
0x2: {  	[smem:$0x3F75] =	sst lr;
	_ =	strace $0xD0000000  }
0x3: {  	_ = 	snop  }
0x4: {  	_ = 	snop  }
0x5: {  	_ = 	snop  }
0x6: {  	_ = 	snop  }
0x7: {  	_ = 	snop  }
__scs_overlays_trampoline_lowered:
0x8: {  	[smem:$0x3F84] =	sst s0  }
0x9: {  	[smem:$0x3F85] =	sst s1  }
0xa: {  	[smem:$0x3F86] =	sst s2  }
0xb: {  	[smem:$0x3F87] =	sst s3  }
0xc: {  	[smem:$0x3F88] =	sst s4  }
0xd: {  	[smem:$0x3F89] =	sst s5  }
0xe: {  	[smem:$0x3F8A] =	sst s6  }
0xf: {  	[smem:$0x3F8B] =	sst s7  }
0x10: {  	[smem:$0x3F8C] =	sst s8  }
0x11: {  	[smem:$0x3F8D] =	sst s9;
	s0 =	simm.s32 @!p0 $0x0  }
0x12: {  	s1 =	sld [smem:$0x3F73];
	s0 =	simm.s32 @p0 $0x1  }
0x13: {  	[smem:$0x3F8E] =	sst s0;
	s0 =	simm.s32 @!p1 $0x0  }
0x14: {  	s2 =	sld [smem:$0x3F72];
	s0 =	simm.s32 @p1 $0x1  }
0x15: {  	[smem:$0x3F8F] =	sst s0;
	s0 =	simm.s32 @!p2 $0x0  }
0x16: {  	s3 =	sld [smem:$0x3FDB];
	s0 =	simm.s32 @p2 $0x1  }
0x17: {  	s4 =	simm.s32 $0x1BF5;
	[smem:$0x3F91] =	sst s0  }
0x18: {  	s0 =	sld [smem:$0x3F74];
	_ =	swait.ge [sflag:s4], $0x0  }
0x19: {  	s7 =	sld [smem:$0x3F75]  }
0x1a: {  	s8 =	sadd.s32 $0xFFFFE003, lr  }
0x1b: {  	s9 =	sadd.s32 $0xFFFFFEF7, lr;
	s5 =	simm.s32 $0xFFFFFFFF;
	p2 =	slt.u32 s8, $0xFFFFF086  }
0x1c: {  	p1 =	slt.u32 s9, $0xF7A;
	s5 =	simm.s32 @!p2 $0x0  }
0x1d: {  	s5 =	simm.s32 @p1 $0x1;
	p0 =	seq.s32 s7, s2  }
0x1e: {  	s7 =	smul.u32 @!p0 $0xF7A, s2;
	p2 =	seq.s32 @!p0 s5, $0x0  }
0x1f: {  	s9 =	smul.u32 $0xF7A, s1;
	s8 =	simm.s32 @!p0 $0x1BF5;
	p2 =	por !p2, p0  }
0x20: {  	[sflag:s8] =	ssyncset.s32 @!p0 $0xFFFFF086;
	s6 =	sadd.s32 @!p0 s3, s7;
	s7 =	simm.s32 @!p0 $0x108  }
0x21: {  	s3 =	sadd.s32 s3, s9;
	s6 =	sadd.s32 @!p0 $0x88, s6;
	s7 =	simm.s32 @p2 $0x1082  }
0x22: {  	[simem:s7], [sflag:s8] =	dma.local @!p0 [hbm:s6], $0xF7A  }
0x23: {  	s9 =	sor.u32 $0xD0000000, s2;
	s6 =	simm.s32 $0x108;
	_ =	swait.ge @!p0 [sflag:s8], $0x0  }
0x24: {  	s3 =	sadd.s32 $0x88, s3;
	s6 =	simm.s32 @!p1 $0x1082;
	[sflag:s4] =	ssyncset.s32 $0xFFFFF086  }
0x25: {  	[simem:s6], [sflag:s4] =	dma.local [hbm:s3], $0xF7A  }
0x26: {  	[smem:$0x3F75] =	sst s1;
	(tag) =	ssettag s2;
	_ =	strace s9  }
0x27: {  	s1 =	sld [smem:$0x3F85]  }
0x28: {  	s2 =	sld [smem:$0x3F86]  }
0x29: {  	s4 =	sld [smem:$0x3F88]  }
0x2a: {  	p0 =	seq.s32 s5, $0x0;
	s5 =	sld [smem:$0x3F89]  }
0x2b: {  	s6 =	sld [smem:$0x3F8A]  }
0x2c: {  	s7 =	sld [smem:$0x3F8B]  }
0x2d: {  	s3 =	simm.s32 $0x108;
	s8 =	sld [smem:$0x3F8C]  }
0x2e: {  	s3 =	simm.s32 @!p0 $0x1082;
	s9 =	sld [smem:$0x3F8D]  }
0x2f: {  	lr =	sadd.s32 s0, s3;
	s0 =	sld [smem:$0x3F84]  }
0x30: {  	s3 =	sld [smem:$0x3F87]  }
0x31: {  	[smem:$0x3F90] =	sst s10  }
0x32: {  	s10 =	sld [smem:$0x3F8E];
	_ =	sdelay $0x3  }
0x33: {  	p0 =	seq.s32 s10, $0x1;
	s10 =	sld [smem:$0x3F90];
	_ =	sdelay $0x3  }
0x34: {  	[smem:$0x3F90] =	sst s10  }
0x35: {  	s10 =	sld [smem:$0x3F8F];
	_ =	sdelay $0x3  }
0x36: {  	p1 =	seq.s32 s10, $0x1;
	s10 =	sld [smem:$0x3F90];
	_ =	sdelay $0x3  }
0x37: {  	[smem:$0x3F90] =	sst s10  }
0x38: {  	s10 =	sld [smem:$0x3F91]  }
0x39: {  	_ = 	snop;
	(pc) =	sbr.ind lr, $3  }
0x3a: {  	_ = 	snop  }
0x3b: {  	_ = 	snop  }
0x3c: {  	p2 =	seq.s32 s10, $0x1;
	s10 =	sld [smem:$0x3F90]  }
0x3d: {  	_ =	shalt  }
0x3e: {  	_ =	shalt  }
0x3f: {  	_ =	shalt  }
0x40: {  	_ =	shalt  }
0x41: {  	_ =	shalt  }
0x42: {  	_ =	shalt  }
0x43: {  	_ =	shalt  }
0x44: {  	_ =	shalt  }
0x45: {  	_ =	shalt  }
0x46: {  	_ =	shalt  }
0x47: {  	_ =	shalt  }
0x48: {  	_ =	shalt  }
0x49: {  	_ =	shalt  }
0x4a: {  	_ =	shalt  }
0x4b: {  	_ =	shalt  }
0x4c: {  	_ =	shalt  }
0x4d: {  	_ =	shalt  }
0x4e: {  	_ =	shalt  }
0x4f: {  	_ =	shalt  }
0x50: {  	_ =	shalt  }
0x51: {  	_ =	shalt  }
0x52: {  	_ =	shalt  }
0x53: {  	_ =	shalt  }
0x54: {  	_ =	shalt  }
0x55: {  	_ =	shalt  }
0x56: {  	_ =	shalt  }
0x57: {  	_ =	shalt  }
0x58: {  	_ =	shalt  }
0x59: {  	_ =	shalt  }
0x5a: {  	_ =	shalt  }
0x5b: {  	_ =	shalt  }
0x5c: {  	_ =	shalt  }
0x5d: {  	_ =	shalt  }
0x5e: {  	_ =	shalt  }
0x5f: {  	_ =	shalt  }
0x60: {  	_ =	shalt  }
0x61: {  	_ =	shalt  }
0x62: {  	_ =	shalt  }
0x63: {  	_ =	shalt  }
0x64: {  	_ =	shalt  }
0x65: {  	_ =	shalt  }
0x66: {  	_ =	shalt  }
0x67: {  	_ =	shalt  }
0x68: {  	_ =	shalt  }
0x69: {  	_ =	shalt  }
0x6a: {  	_ =	shalt  }
0x6b: {  	_ =	shalt  }
0x6c: {  	_ =	shalt  }
0x6d: {  	_ =	shalt  }
0x6e: {  	_ =	shalt  }
0x6f: {  	_ =	shalt  }
0x70: {  	_ =	shalt  }
0x71: {  	_ =	shalt  }
0x72: {  	_ =	shalt  }
0x73: {  	_ =	shalt  }
0x74: {  	_ =	shalt  }
0x75: {  	_ =	shalt  }
0x76: {  	_ =	shalt  }
0x77: {  	_ =	shalt  }
0x78: {  	_ =	shalt  }
0x79: {  	_ =	shalt  }
0x7a: {  	_ =	shalt  }
0x7b: {  	_ =	shalt  }
0x7c: {  	_ =	shalt  }
0x7d: {  	_ =	shalt  }
0x7e: {  	_ =	shalt  }
0x7f: {  	_ =	shalt  }
0x80: {  	_ =	shalt  }
0x81: {  	_ =	shalt  }
0x82: {  	_ =	shalt  }
0x83: {  	_ =	shalt  }
0x84: {  	_ =	shalt  }
0x85: {  	_ =	shalt  }
0x86: {  	_ =	shalt  }
0x87: {  	_ =	shalt  }
.Lfunc_end0:
.L_simem_size_0:
called_computation.2_lowered:
.L_overlay_start_0:
0x88: {  	s2 =	sld [smem:$0x3FD9]  }
0x89: {  	s3 =	sld [smem:$0x3FFE];
	_ =	sdelay $0x1  }
0x8a: {  	s1 =	srdreg.scid  }
0x8b: {  	s0 =	sand.u32 $0x1, s1  }
0x8c: {  	s14 =	sshll.u32 s0, $0xA;
	s2 =	sadd.s32 s3, s2  }
0x8d: {  	s2 =	sadd.s32 s2, s14  }
0x8e: {  	[smem:$0x3F9C] =	sst s2  }
0x8f: {  	_ = 	snop  }
0x90: {  	s2 =	sld [smem:$0x3FD0];
	_ =	sdelay $0x2  }
0x91: {  	s15 =	simm.s32 $0xB;
	s4 =	simm.s32 $0x10  }
0x92: {  	[smem:s4], [sflag:s15] =	dma.local [hbm:s2], $0x1  }
0x93: {  	_ =	swait.eq [sflag:s15], $0x1  }
0x94: {  	[sflag:s15] =	ssyncset.done $0x0  }
0x95: {  	[sflag:s15] =	ssyncadd.s32 $0xFFFFFFFF  }
0x96: {  	s16 =	sld [smem:$0x10];
	(tm) =	ssettm $0x1  }
0x97: {  	s17 =	sld [smem:$0x3FFB];
	_ =	sdelay $0x3  }
0x98: {  	_ =	strace s17  }
0x99: {  	s3 =	sld [smem:$0x3FFC];
	_ =	sdelay $0x3  }
0x9a: {  	_ =	strace s3  }
0x9b: {  	s3 =	sld [smem:$0x3FFD];
	_ =	sdelay $0x3  }
0x9c: {  	_ =	strace s3  }
0x9d: {  	_ =	strace $0x8FFFFFFF  }
0x9e: {  	s18 =	sld [smem:$0x3FDB];
	_ =	sdelay $0x1  }
0x9f: {  	s19 =	simm.s32 $_scs_section_size  }
0xa0: {  	s5 =	simm.s32 $_size__tile_overlayer_lowered;
	s6 =	simm.s32 $_tile_overlayer_lowered  }
0xa1: {  	s22 =	simm.s32 $0x1BFF;
	s21 =	sshll.u32 s6, $0x1;
	s3 =	sadd.s32 s19, s18  }
0xa2: {  	s7 =	simm.s32 $0x0;
	s20 =	sshll.u32 s5, $0x1;
	s5 =	sadd.s32 s21, s3  }
0xa3: {  	[timem:s7], [sflag:s22] =	dma.local [hbm:s5], s20  }
0xa4: {  	_ =	swait.ge [sflag:s22], s20  }
0xa5: {  	s4 =	ssub.s32 $0x0, s20;
	[sflag:s22] =	ssyncset.done $0x0  }
0xa6: {  	[sflag:s22] =	ssyncadd.s32 s4;
	_ =	sdelay $0x1  }
0xa7: {  	s23 =	simm.s32 $0x1B8B  }
0xa8: {  	_ =	swait.ge [sflag:s23], $0x1  }
0xa9: {  	[sflag:s23] =	ssyncset.done $0x0  }
0xaa: {  	s25 =	simm.s32 $0x1B8E;
	s24 =	sld [smem:$0x3FFE];
	[sflag:s23] =	ssyncadd.s32 $0xFFFFFFFF  }
0xab: {  	s26 =	simm.s32 $execute0_lowered;
	[smem:$0x3FD2] =	sst s25  }
0xac: {  	s5 =	sshll.u32 s26, $0x1;
	_ =	strace $0x8000004C;
	[dreg:$0x1] =	wrdreg $0xFFFFFFFF  }
0xad: {  	s28 =	simm.s32 $_size_execute0_lowered;
	s3 =	sadd.s32 s3, s5;
	[dreg:$0x0] =	wrdreg $0x0  }
0xae: {  	s5 =	sshll.u32 s28, $0x1;
	[dreg:$0x2] =	wrdreg s3  }
0xaf: {  	[dreg:$0x3] =	wrdreg s5  }
0xb0: {  	[dreg:$0x4] =	wrdreg $0xC0  }
0xb1: {  	_ =	task [dreg:s7], $0x5FFFF  }
0xb2: {  	[dreg:$0x1] =	wrdreg $0xFFFFFFFF  }
0xb3: {  	[dreg:$0x0] =	wrdreg $0x60  }
0xb4: {  	[dreg:$0x2] =	wrdreg s24  }
0xb5: {  	[dreg:$0x3] =	wrdreg s16  }
0xb6: {  	[dreg:$0x4] =	wrdreg $0x87C00  }
0xb7: {  	[dreg:$0x5] =	wrdreg $0x9  }
0xb8: {  	_ =	task.clear_ibuf [dreg:s7], $0x6FFFF;
	_ =	strace $0x9000004C  }
0xb9: {  	s29 =	simm.s32 $0x9;
	_ =	strace $0x8000004E  }
0xba: {  	_ =	swait.ge [sflag:s29], $0x1  }
0xbb: {  	[sflag:s29] =	ssyncadd.s32 $0xFFFFFFFF  }
0xbc: {  	_ =	strace $0x9000004E  }
0xbd: {  	_ =	sfence  }
0xbe: {  	s30 =	sld [smem:$0x0];
	_ =	sdelay $0x2  }
0xbf: {  	s31 =	sshll.u32 s1, $0xD;
	s1 =	sshrl.u32 s1, $0x2  }
0xc0: {  	s3 =	sand.u32 $0x4000, s31;
	s1 =	sadd.s32 s1, s30  }
0xc1: {  	s0 =	sor.u32 s3, s0;
	s1 =	sshll.u32 s1, $0x11  }
0xc2: {  	s0 =	sor.u32 s1, s0  }
0xc3: {  	s0 =	sadd.s32 $0x8F2B, s0  }
0xc4: {  	[sflag:s0] =	ssyncadd.remote.s32 $0x1  }
0xc5: {  	_ =	sfence.sel $0xFFFF  }
0xc6: {  	[dreg:$0x0] =	wrdreg $0xFFFFFFFF;
	(pc) =	sbr.abs _section_cstart, $3  }
0xc7: {  	[dreg:$0x1] =	wrdreg $0xFFFFFFFF  }
0xc8: {  	_ =	task.clear_ibuf [dreg:s7], $0x2FFFF;
	_ =	strace $0x9FFFFFFF  }
0xc9: {  	(tm) =	ssettm $0x7FFFFFFF  }
tec
execute0_lowered:
.L_overlay_start_1:
0x0: {  	(tag) =	ssettag $0x1  }
0x1: {  	s5 =	rddreg [dreg:$0x0]  }
0x2: {  	s0 =	srdreg.scid;
	s1 =	rddreg [dreg:$0x1]  }
0x3: {  	s2 =	rddreg [dreg:$0x2];
	s15 =	stileid.u32  }
0x4: {  	s3 =	simm.s32 $0x0;
	s4 =	sand.u32 $0x1, s0;
	s0 =	rddreg [dreg:$0x3]  }
0x5: {  	s13 =	simm.s32 $0x60;
	s14 =	simm.s32 $0x4EC0;
	[smem:$0x7FF] =	sst s3  }
0x6: {  	s9 =	smul.u32 $0x17280, s15;
	s10 =	sadd.s32 $0x87800, s5;
	s17 =	sadd.s32 $0x172800, s2  }
0x7: {  	p0 =	sne.s32 s15, $0x0;
	s18 =	sshll.u32 s15, $0x6;
	p1 =	sne.s32 s15, $0xF  }
0x8: {  	s6 =	sshll.u32 s4, $0x4;
	_ =	strace $0x8000004D;
	s7 =	smul.u32 $0x173180, s4  }
0x9: {  	s8 =	ssub.s32 $0x2, s4;
	s4 =	sadd.s32 $0x59000, s5;
	s17 =	sshrl.u32 @!p1 s17, $0x3  }
0xa: {  	s6 =	sor.u32 s15, s6;
	s29 =	sshrl.u32 s8, $0x1;
	s16 =	sadd.s32 s9, s2  }
0xb: {  	s15 =	sor.u32 $0x1C01, s18;
	s18 =	simm.s32 $0x0;
	s6 =	smul.u32 $0x4EC, s6  }
0xc: {  	s11 =	ssub.s32 s8, s29;
	s30 =	sadd.s32 s9, s7;
	s12 =	sshrl.u32 s7, $0x3  }
0xd: {  	s16 =	sshrl.u32 s16, $0x3;
	s8 =	sshrl.u32 s30, $0x3;
	s31 =	sadd.s32 s10, s12  }
0xe: {  	s9 =	smax.u32 s11, $0x1;
	s11 =	simm.s32 $0x1;
	s12 =	simm.s32 $0x2760  }
0xf: {  	s6 =	sadd.s32 s6, s5;
	s7 =	sadd.s32 s10, s8;
	s8 =	sadd.s32 $0x2E500, s31  }
0x10: {  	s10 =	sshrl.u32 @!p0 s2, $0x3;
	s5 =	sadd.s32 $0x154600, s6;
	s6 =	sadd.s32 $0x14A800, s6  }
.LBB2_1:
0x11: {  	s19 =	simm.s32 @!p0 $0x1C01  }
0x12: {  	[spmem:s10], [sflag:s19] =	dma.local @!p0 [hbm:s1], $0x2E6C8  }
0x13: {  	s19 =	simm.s32 @!p0 $0x1  }
0x14: {  	_ =	swait.ge @!p0 [sflag:s19], $0x2E6C8  }
0x15: {  	[sflag:s19] =	ssyncset.done @!p0 $0x0  }
0x16: {  	[sflag:s19] =	ssyncadd.s32 @!p0 $0xFFFD1938  }
0x17: {  	[tilespmem:s3], [sflag:$0x1] =	stream.linear.gather [hbm4b:s5+s3], $0x2760, $0x38;
	[tilespmem:$0x1FB28] =	vst v63  }
0x18: {  	_ =	swait.ge [sflag:s11], $0x2760  }
0x19: {  	[sflag:s11] =	ssyncset.done $0x0  }
0x1a: {  	[sflag:s11] =	ssyncadd.s32 $0xFFFFD8A0  }
0x1b: {  	[tilespmem:s12], [sflag:$0x1] =	stream.linear.gather [hbm4b:s6+s3], $0x2760, $0x38;
	[tilespmem:$0x1FB28] =	vst v63  }
0x1c: {  	_ =	swait.ge [sflag:s11], $0x2760  }
0x1d: {  	[sflag:s11] =	ssyncset.done $0x0  }
0x1e: {  	[sflag:s11] =	ssyncadd.s32 $0xFFFFD8A0  }
0x1f: {  	s30 =	simm.s32 $0x0;
	[bflag:$0x0] =	sbarrier.arrive $0xFFFF  }
0x20: {  	[tilespmem:s14], [sflag:$0x1] =	stream.indirect.gather [hbm4b:s4+s13], $0x98, s30, s13, $0xb8;
	[tilespmem:$0x1FB28] =	vst v63  }
0x21: {  	_ =	swait.ge [sflag:s11], $0x3900  }
0x22: {  	[sflag:s11] =	ssyncset.done $0x0  }
0x23: {  	s31 =	simm.s32 $0x2760;
	[sflag:s11] =	ssyncadd.s32 $0xFFFFC700  }
0x24: {  	[spmem:s2] =	stream.indirect.scatter.add.f32 [tilespmem:s14], [sflag:$0x1], $0x98, s31, s13, $0xb8;
	[tilespmem:$0x1FB28] =	vst v63  }
0x25: {  	_ =	swait.ge [sflag:s11], $0x3900  }
0x26: {  	s20 =	simm.s32 $0x300;
	s19 =	simm.s32 $0x180;
	[sflag:s11] =	ssyncset.done $0x0  }
.LBB2_2:
0x27: {  	s21 =	sshra.s32 s19, $0x2  }
0x28: {  	[sflag:s11] =	ssyncadd.s32 $0xFFFFC700;
	s19 =	smov.u32 s20;
	s22 =	sadd.s32 $0x180, s20  }
0x29: {  	[tilespmem:s14], [sflag:$0x1] =	stream.indirect.gather [hbm4b:s4+s13], $0x98, s21, s13, $0xb8;
	[tilespmem:$0x1FB28] =	vst v63  }
0x2a: {  	p2 =	sne.s32 s20, $0x9C00;
	_ =	swait.ge [sflag:s11], $0x3900  }
.Ltmp0:
0x2b: {  	[sflag:s11] =	ssyncset.done $0x0;
	(pc) =	sbr.rel @p2 .LBB2_2-.Ltmp0, $4  }
0x2c: {  	s20 =	sadd.s32 $0x2760, s21;
	[sflag:s11] =	ssyncadd.s32 $0xFFFFC700  }
0x2d: {  	[spmem:s2] =	stream.indirect.scatter.add.f32 [tilespmem:s14], [sflag:$0x1], $0x98, s20, s13, $0xb8;
	[tilespmem:$0x1FB28] =	vst v63  }
0x2e: {  	_ =	swait.ge [sflag:s11], $0x3900  }
0x2f: {  	s20 =	smov.u32 s22;
	[sflag:s11] =	ssyncset.done $0x0  }
0x30: {  	s19 =	sshra.s32 s19, $0x2;
	[sflag:s11] =	ssyncadd.s32 $0xFFFFC700  }
0x31: {  	[tilespmem:s14], [sflag:$0x1] =	stream.indirect.gather [hbm4b:s4+s13], $0x98, s19, s13, $0xb8;
	[tilespmem:$0x1FB28] =	vst v63  }
0x32: {  	_ =	swait.ge [sflag:s11], $0x3900  }
0x33: {  	[sflag:s11] =	ssyncset.done $0x0  }
0x34: {  	s19 =	sadd.s32 $0x2760, s19;
	[sflag:s11] =	ssyncadd.s32 $0xFFFFC700  }
0x35: {  	[spmem:s2] =	stream.indirect.scatter.add.f32 [tilespmem:s14], [sflag:$0x1], $0x98, s19, s13, $0xb8;
	[tilespmem:$0x1FB28] =	vst v63  }
0x36: {  	_ =	swait.ge [sflag:s11], $0x3900  }
0x37: {  	[sflag:s11] =	ssyncset.done $0x0  }
0x38: {  	[sflag:s11] =	ssyncadd.s32 $0xFFFFC700  }
0x39: {  	[bflag:$0x0] =	sbarrier.arrive $0xFFFF  }
0x3a: {  	[hbm:s7], [sflag:s15] =	dma.local [spmem:s16], $0x2E50  }
0x3b: {  	s18 =	sadd.s32 $0x1, s18;
	_ =	swait.ge [sflag:s11], $0x2E50  }
0x3c: {  	p2 =	sne.s32 s18, s9;
	[sflag:s11] =	ssyncset.done $0x0  }
.Ltmp1:
0x3d: {  	s19 =	simm.s32 @!p1 $0x1;
	[sflag:s11] =	ssyncadd.s32 $0xFFFFD1B0;
	(pc) =	sbr.rel @p2 .LBB2_1-.Ltmp1, $4  }
0x3e: {  	[hbm:s8], [sflag:s15] =	dma.local @!p1 [spmem:s17], $0x130  }
0x3f: {  	_ =	swait.ge @!p1 [sflag:s19], $0x130  }
0x40: {  	[sflag:s19] =	ssyncset.done @!p1 $0x0  }
0x41: {  	[sflag:s19] =	ssyncadd.s32 @!p1 $0xFFFFFED0  }
0x42: {  	_ =	sfence.sel $0x180000  }
0x43: {  	[bflag:$0x0] =	sbarrier.arrive $0xFFFF  }
0x44: {  	_ =	strace $0x9000004D  }
0x45: {  	s0 =	sadd.s32 @!p0 $0x100000, s0;
	[bflag:$0x2] =	sbarrier.arrive $0xFFFF  }
0x46: {  	[sflag:s0] =	ssyncadd.tile.s32 @!p0 $0x1;
	_ =	shalt  }
.Lfunc_end2:
_tile_overlayer_lowered:
.L_overlay_start_2:
0x47: {  	(tag) =	ssettag $0x2  }
0x48: {  	s0 =	rddreg [dreg:$0x0];
	s2 =	stileid.u32  }
0x49: {  	s1 =	rddreg [dreg:$0x1];
	p0 =	sne.s32 s2, $0x0  }
0x4a: {  	s3 =	rddreg [dreg:$0x2];
	[bflag:$0x3] =	sbarrier.arrive $0xFFFF;
	s2 =	simm.s32 @!p0 $0x1C01  }
0x4b: {  	[timem:s3], [sflag:s2] =	dma.local @!p0 [hbm:s0], s1  }
0x4c: {  	s0 =	simm.s32 @!p0 $0x1  }
0x4d: {  	_ =	swait.ge @!p0 [sflag:s0], s1  }
0x4e: {  	s1 =	ssub.s32 @!p0 $0x0, s1;
	[sflag:s0] =	ssyncset.done @!p0 $0x0  }
0x4f: {  	[sflag:s0] =	ssyncadd.s32 @!p0 s1  }
0x50: {  	[bflag:$0x3] =	sbarrier.arrive $0xFFFF  }
0x51: {  	_ =	shalt  }

// kernel: kernel.22.cloned.1.call-start
scs
__scs_entry_jumppad:
0x0: {  	(pc) =	sbr.rel $0x88, $3  }
0x1: {  	(tag) =	ssettag $0x0;
	lr =	simm.s32 $0x1  }
0x2: {  	[smem:$0x3F75] =	sst lr;
	_ =	strace $0xD0000000  }
0x3: {  	_ = 	snop  }
0x4: {  	_ = 	snop  }
0x5: {  	_ = 	snop  }
0x6: {  	_ = 	snop  }
0x7: {  	_ = 	snop  }
__scs_overlays_trampoline_lowered:
0x8: {  	[smem:$0x3F84] =	sst s0  }
0x9: {  	[smem:$0x3F85] =	sst s1  }
0xa: {  	[smem:$0x3F86] =	sst s2  }
0xb: {  	[smem:$0x3F87] =	sst s3  }
0xc: {  	[smem:$0x3F88] =	sst s4  }
0xd: {  	[smem:$0x3F89] =	sst s5  }
0xe: {  	[smem:$0x3F8A] =	sst s6  }
0xf: {  	[smem:$0x3F8B] =	sst s7  }
0x10: {  	[smem:$0x3F8C] =	sst s8  }
0x11: {  	[smem:$0x3F8D] =	sst s9;
	s0 =	simm.s32 @!p0 $0x0  }
0x12: {  	s1 =	sld [smem:$0x3F73];
	s0 =	simm.s32 @p0 $0x1  }
0x13: {  	[smem:$0x3F8E] =	sst s0;
	s0 =	simm.s32 @!p1 $0x0  }
0x14: {  	s2 =	sld [smem:$0x3F72];
	s0 =	simm.s32 @p1 $0x1  }
0x15: {  	[smem:$0x3F8F] =	sst s0;
	s0 =	simm.s32 @!p2 $0x0  }
0x16: {  	s3 =	sld [smem:$0x3FDB];
	s0 =	simm.s32 @p2 $0x1  }
0x17: {  	s4 =	simm.s32 $0x1BF5;
	[smem:$0x3F91] =	sst s0  }
0x18: {  	s0 =	sld [smem:$0x3F74];
	_ =	swait.ge [sflag:s4], $0x0  }
0x19: {  	s7 =	sld [smem:$0x3F75]  }
0x1a: {  	s8 =	sadd.s32 $0xFFFFE003, lr  }
0x1b: {  	s9 =	sadd.s32 $0xFFFFFEF7, lr;
	s5 =	simm.s32 $0xFFFFFFFF;
	p2 =	slt.u32 s8, $0xFFFFF086  }
0x1c: {  	p1 =	slt.u32 s9, $0xF7A;
	s5 =	simm.s32 @!p2 $0x0  }
0x1d: {  	s5 =	simm.s32 @p1 $0x1;
	p0 =	seq.s32 s7, s2  }
0x1e: {  	s7 =	smul.u32 @!p0 $0xF7A, s2;
	p2 =	seq.s32 @!p0 s5, $0x0  }
0x1f: {  	s9 =	smul.u32 $0xF7A, s1;
	s8 =	simm.s32 @!p0 $0x1BF5;
	p2 =	por !p2, p0  }
0x20: {  	[sflag:s8] =	ssyncset.s32 @!p0 $0xFFFFF086;
	s6 =	sadd.s32 @!p0 s3, s7;
	s7 =	simm.s32 @!p0 $0x108  }
0x21: {  	s3 =	sadd.s32 s3, s9;
	s6 =	sadd.s32 @!p0 $0x88, s6;
	s7 =	simm.s32 @p2 $0x1082  }
0x22: {  	[simem:s7], [sflag:s8] =	dma.local @!p0 [hbm:s6], $0xF7A  }
0x23: {  	s9 =	sor.u32 $0xD0000000, s2;
	s6 =	simm.s32 $0x108;
	_ =	swait.ge @!p0 [sflag:s8], $0x0  }
0x24: {  	s3 =	sadd.s32 $0x88, s3;
	s6 =	simm.s32 @!p1 $0x1082;
	[sflag:s4] =	ssyncset.s32 $0xFFFFF086  }
0x25: {  	[simem:s6], [sflag:s4] =	dma.local [hbm:s3], $0xF7A  }
0x26: {  	[smem:$0x3F75] =	sst s1;
	(tag) =	ssettag s2;
	_ =	strace s9  }
0x27: {  	s1 =	sld [smem:$0x3F85]  }
0x28: {  	s2 =	sld [smem:$0x3F86]  }
0x29: {  	s4 =	sld [smem:$0x3F88]  }
0x2a: {  	p0 =	seq.s32 s5, $0x0;
	s5 =	sld [smem:$0x3F89]  }
0x2b: {  	s6 =	sld [smem:$0x3F8A]  }
0x2c: {  	s7 =	sld [smem:$0x3F8B]  }
0x2d: {  	s3 =	simm.s32 $0x108;
	s8 =	sld [smem:$0x3F8C]  }
0x2e: {  	s3 =	simm.s32 @!p0 $0x1082;
	s9 =	sld [smem:$0x3F8D]  }
0x2f: {  	lr =	sadd.s32 s0, s3;
	s0 =	sld [smem:$0x3F84]  }
0x30: {  	s3 =	sld [smem:$0x3F87]  }
0x31: {  	[smem:$0x3F90] =	sst s10  }
0x32: {  	s10 =	sld [smem:$0x3F8E];
	_ =	sdelay $0x3  }
0x33: {  	p0 =	seq.s32 s10, $0x1;
	s10 =	sld [smem:$0x3F90];
	_ =	sdelay $0x3  }
0x34: {  	[smem:$0x3F90] =	sst s10  }
0x35: {  	s10 =	sld [smem:$0x3F8F];
	_ =	sdelay $0x3  }
0x36: {  	p1 =	seq.s32 s10, $0x1;
	s10 =	sld [smem:$0x3F90];
	_ =	sdelay $0x3  }
0x37: {  	[smem:$0x3F90] =	sst s10  }
0x38: {  	s10 =	sld [smem:$0x3F91]  }
0x39: {  	_ = 	snop;
	(pc) =	sbr.ind lr, $3  }
0x3a: {  	_ = 	snop  }
0x3b: {  	_ = 	snop  }
0x3c: {  	p2 =	seq.s32 s10, $0x1;
	s10 =	sld [smem:$0x3F90]  }
0x3d: {  	_ =	shalt  }
0x3e: {  	_ =	shalt  }
0x3f: {  	_ =	shalt  }
0x40: {  	_ =	shalt  }
0x41: {  	_ =	shalt  }
0x42: {  	_ =	shalt  }
0x43: {  	_ =	shalt  }
0x44: {  	_ =	shalt  }
0x45: {  	_ =	shalt  }
0x46: {  	_ =	shalt  }
0x47: {  	_ =	shalt  }
0x48: {  	_ =	shalt  }
0x49: {  	_ =	shalt  }
0x4a: {  	_ =	shalt  }
0x4b: {  	_ =	shalt  }
0x4c: {  	_ =	shalt  }
0x4d: {  	_ =	shalt  }
0x4e: {  	_ =	shalt  }
0x4f: {  	_ =	shalt  }
0x50: {  	_ =	shalt  }
0x51: {  	_ =	shalt  }
0x52: {  	_ =	shalt  }
0x53: {  	_ =	shalt  }
0x54: {  	_ =	shalt  }
0x55: {  	_ =	shalt  }
0x56: {  	_ =	shalt  }
0x57: {  	_ =	shalt  }
0x58: {  	_ =	shalt  }
0x59: {  	_ =	shalt  }
0x5a: {  	_ =	shalt  }
0x5b: {  	_ =	shalt  }
0x5c: {  	_ =	shalt  }
0x5d: {  	_ =	shalt  }
0x5e: {  	_ =	shalt  }
0x5f: {  	_ =	shalt  }
0x60: {  	_ =	shalt  }
0x61: {  	_ =	shalt  }
0x62: {  	_ =	shalt  }
0x63: {  	_ =	shalt  }
0x64: {  	_ =	shalt  }
0x65: {  	_ =	shalt  }
0x66: {  	_ =	shalt  }
0x67: {  	_ =	shalt  }
0x68: {  	_ =	shalt  }
0x69: {  	_ =	shalt  }
0x6a: {  	_ =	shalt  }
0x6b: {  	_ =	shalt  }
0x6c: {  	_ =	shalt  }
0x6d: {  	_ =	shalt  }
0x6e: {  	_ =	shalt  }
0x6f: {  	_ =	shalt  }
0x70: {  	_ =	shalt  }
0x71: {  	_ =	shalt  }
0x72: {  	_ =	shalt  }
0x73: {  	_ =	shalt  }
0x74: {  	_ =	shalt  }
0x75: {  	_ =	shalt  }
0x76: {  	_ =	shalt  }
0x77: {  	_ =	shalt  }
0x78: {  	_ =	shalt  }
0x79: {  	_ =	shalt  }
0x7a: {  	_ =	shalt  }
0x7b: {  	_ =	shalt  }
0x7c: {  	_ =	shalt  }
0x7d: {  	_ =	shalt  }
0x7e: {  	_ =	shalt  }
0x7f: {  	_ =	shalt  }
0x80: {  	_ =	shalt  }
0x81: {  	_ =	shalt  }
0x82: {  	_ =	shalt  }
0x83: {  	_ =	shalt  }
0x84: {  	_ =	shalt  }
0x85: {  	_ =	shalt  }
0x86: {  	_ =	shalt  }
0x87: {  	_ =	shalt  }
.Lfunc_end0:
.L_simem_size_0:
called_computation.3_lowered:
.L_overlay_start_0:
0x88: {  	s2 =	sld [smem:$0x3FD9]  }
0x89: {  	s3 =	sld [smem:$0x3FFE];
	_ =	sdelay $0x1  }
0x8a: {  	s1 =	srdreg.scid  }
0x8b: {  	s0 =	sand.u32 $0x1, s1  }
0x8c: {  	s14 =	sshll.u32 s0, $0xA;
	s2 =	sadd.s32 s3, s2  }
0x8d: {  	s2 =	sadd.s32 s2, s14  }
0x8e: {  	[smem:$0x3F9C] =	sst s2  }
0x8f: {  	_ = 	snop  }
0x90: {  	s2 =	sld [smem:$0x3FD0];
	_ =	sdelay $0x2  }
0x91: {  	s15 =	simm.s32 $0xB;
	s4 =	simm.s32 $0x10  }
0x92: {  	[smem:s4], [sflag:s15] =	dma.local [hbm:s2], $0x1  }
0x93: {  	_ =	swait.eq [sflag:s15], $0x1  }
0x94: {  	[sflag:s15] =	ssyncset.done $0x0  }
0x95: {  	[sflag:s15] =	ssyncadd.s32 $0xFFFFFFFF  }
0x96: {  	s16 =	sld [smem:$0x10];
	(tm) =	ssettm $0x1  }
0x97: {  	s17 =	sld [smem:$0x3FFB];
	_ =	sdelay $0x3  }
0x98: {  	_ =	strace s17  }
0x99: {  	s3 =	sld [smem:$0x3FFC];
	_ =	sdelay $0x3  }
0x9a: {  	_ =	strace s3  }
0x9b: {  	s3 =	sld [smem:$0x3FFD];
	_ =	sdelay $0x3  }
0x9c: {  	_ =	strace s3  }
0x9d: {  	_ =	strace $0x8FFFFFFF  }
0x9e: {  	s18 =	sld [smem:$0x3FDB];
	_ =	sdelay $0x1  }
0x9f: {  	s19 =	simm.s32 $_scs_section_size  }
0xa0: {  	s5 =	simm.s32 $_size__tile_overlayer_lowered;
	s6 =	simm.s32 $_tile_overlayer_lowered  }
0xa1: {  	s22 =	simm.s32 $0x1BFF;
	s21 =	sshll.u32 s6, $0x1;
	s3 =	sadd.s32 s19, s18  }
0xa2: {  	s7 =	simm.s32 $0x0;
	s20 =	sshll.u32 s5, $0x1;
	s5 =	sadd.s32 s21, s3  }
0xa3: {  	[timem:s7], [sflag:s22] =	dma.local [hbm:s5], s20  }
0xa4: {  	_ =	swait.ge [sflag:s22], s20  }
0xa5: {  	s4 =	ssub.s32 $0x0, s20;
	[sflag:s22] =	ssyncset.done $0x0  }
0xa6: {  	[sflag:s22] =	ssyncadd.s32 s4;
	_ =	sdelay $0x1  }
0xa7: {  	s23 =	simm.s32 $0x1B8B  }
0xa8: {  	_ =	swait.ge [sflag:s23], $0x1  }
0xa9: {  	[sflag:s23] =	ssyncset.done $0x0  }
0xaa: {  	s25 =	simm.s32 $0x1B8E;
	s24 =	sld [smem:$0x3FFE];
	[sflag:s23] =	ssyncadd.s32 $0xFFFFFFFF  }
0xab: {  	s26 =	simm.s32 $execute0_lowered;
	[smem:$0x3FD2] =	sst s25  }
0xac: {  	s5 =	sshll.u32 s26, $0x1;
	_ =	strace $0x8000004F;
	[dreg:$0x1] =	wrdreg $0xFFFFFFFF  }
0xad: {  	s28 =	simm.s32 $_size_execute0_lowered;
	s3 =	sadd.s32 s3, s5;
	[dreg:$0x0] =	wrdreg $0x0  }
0xae: {  	s5 =	sshll.u32 s28, $0x1;
	[dreg:$0x2] =	wrdreg s3  }
0xaf: {  	[dreg:$0x3] =	wrdreg s5  }
0xb0: {  	[dreg:$0x4] =	wrdreg $0xC0  }
0xb1: {  	_ =	task [dreg:s7], $0x5FFFF  }
0xb2: {  	[dreg:$0x1] =	wrdreg $0xFFFFFFFF  }
0xb3: {  	[dreg:$0x0] =	wrdreg $0x60  }
0xb4: {  	[dreg:$0x2] =	wrdreg s24  }
0xb5: {  	[dreg:$0x3] =	wrdreg s16  }
0xb6: {  	[dreg:$0x4] =	wrdreg $0x87C00  }
0xb7: {  	[dreg:$0x5] =	wrdreg $0x9  }
0xb8: {  	_ =	task.clear_ibuf [dreg:s7], $0x6FFFF;
	_ =	strace $0x9000004F  }
0xb9: {  	s29 =	simm.s32 $0x9;
	_ =	strace $0x80000051  }
0xba: {  	_ =	swait.ge [sflag:s29], $0x1  }
0xbb: {  	[sflag:s29] =	ssyncadd.s32 $0xFFFFFFFF  }
0xbc: {  	_ =	strace $0x90000051  }
0xbd: {  	_ =	sfence  }
0xbe: {  	s30 =	sld [smem:$0x0];
	_ =	sdelay $0x2  }
0xbf: {  	s31 =	sshll.u32 s1, $0xD;
	s1 =	sshrl.u32 s1, $0x2  }
0xc0: {  	s3 =	sand.u32 $0x4000, s31;
	s1 =	sadd.s32 s1, s30  }
0xc1: {  	s0 =	sor.u32 s3, s0;
	s1 =	sshll.u32 s1, $0x11  }
0xc2: {  	s0 =	sor.u32 s1, s0  }
0xc3: {  	s0 =	sadd.s32 $0x8F2B, s0  }
0xc4: {  	[sflag:s0] =	ssyncadd.remote.s32 $0x1  }
0xc5: {  	_ =	sfence.sel $0xFFFF  }
0xc6: {  	[dreg:$0x0] =	wrdreg $0xFFFFFFFF;
	(pc) =	sbr.abs _section_cstart, $3  }
0xc7: {  	[dreg:$0x1] =	wrdreg $0xFFFFFFFF  }
0xc8: {  	_ =	task.clear_ibuf [dreg:s7], $0x2FFFF;
	_ =	strace $0x9FFFFFFF  }
0xc9: {  	(tm) =	ssettm $0x7FFFFFFF  }
tec
execute0_lowered:
.L_overlay_start_1:
0x0: {  	(tag) =	ssettag $0x1  }
0x1: {  	s5 =	rddreg [dreg:$0x0]  }
0x2: {  	s0 =	srdreg.scid;
	s1 =	rddreg [dreg:$0x1]  }
0x3: {  	s2 =	rddreg [dreg:$0x2];
	s15 =	stileid.u32  }
0x4: {  	s3 =	simm.s32 $0x0;
	s4 =	sand.u32 $0x1, s0;
	s0 =	rddreg [dreg:$0x3]  }
0x5: {  	s13 =	simm.s32 $0x60;
	s14 =	simm.s32 $0x4EC0;
	[smem:$0x7FF] =	sst s3  }
0x6: {  	s9 =	smul.u32 $0x17280, s15;
	s10 =	sadd.s32 $0x87800, s5;
	s17 =	sadd.s32 $0x172800, s2  }
0x7: {  	p0 =	sne.s32 s15, $0x0;
	s18 =	sshll.u32 s15, $0x6;
	p1 =	sne.s32 s15, $0xF  }
0x8: {  	s6 =	sshll.u32 s4, $0x4;
	_ =	strace $0x80000050;
	s7 =	smul.u32 $0x173180, s4  }
0x9: {  	s8 =	ssub.s32 $0x2, s4;
	s4 =	sadd.s32 $0x59000, s5;
	s17 =	sshrl.u32 @!p1 s17, $0x3  }
0xa: {  	s6 =	sor.u32 s15, s6;
	s29 =	sshrl.u32 s8, $0x1;
	s16 =	sadd.s32 s9, s2  }
0xb: {  	s15 =	sor.u32 $0x1C01, s18;
	s18 =	simm.s32 $0x0;
	s6 =	smul.u32 $0x4EC, s6  }
0xc: {  	s11 =	ssub.s32 s8, s29;
	s30 =	sadd.s32 s9, s7;
	s12 =	sshrl.u32 s7, $0x3  }
0xd: {  	s16 =	sshrl.u32 s16, $0x3;
	s8 =	sshrl.u32 s30, $0x3;
	s31 =	sadd.s32 s10, s12  }
0xe: {  	s9 =	smax.u32 s11, $0x1;
	s11 =	simm.s32 $0x1;
	s12 =	simm.s32 $0x2760  }
0xf: {  	s6 =	sadd.s32 s6, s5;
	s7 =	sadd.s32 s10, s8;
	s8 =	sadd.s32 $0x2E500, s31  }
0x10: {  	s10 =	sshrl.u32 @!p0 s2, $0x3;
	s5 =	sadd.s32 $0x154600, s6;
	s6 =	sadd.s32 $0x14A800, s6  }
.LBB2_1:
0x11: {  	s19 =	simm.s32 @!p0 $0x1C01  }
0x12: {  	[spmem:s10], [sflag:s19] =	dma.local @!p0 [hbm:s1], $0x2E6C8  }
0x13: {  	s19 =	simm.s32 @!p0 $0x1  }
0x14: {  	_ =	swait.ge @!p0 [sflag:s19], $0x2E6C8  }
0x15: {  	[sflag:s19] =	ssyncset.done @!p0 $0x0  }
0x16: {  	[sflag:s19] =	ssyncadd.s32 @!p0 $0xFFFD1938  }
0x17: {  	[tilespmem:s3], [sflag:$0x1] =	stream.linear.gather [hbm4b:s5+s3], $0x2760, $0x38;
	[tilespmem:$0x1FB28] =	vst v63  }
0x18: {  	_ =	swait.ge [sflag:s11], $0x2760  }
0x19: {  	[sflag:s11] =	ssyncset.done $0x0  }
0x1a: {  	[sflag:s11] =	ssyncadd.s32 $0xFFFFD8A0  }
0x1b: {  	[tilespmem:s12], [sflag:$0x1] =	stream.linear.gather [hbm4b:s6+s3], $0x2760, $0x38;
	[tilespmem:$0x1FB28] =	vst v63  }
0x1c: {  	_ =	swait.ge [sflag:s11], $0x2760  }
0x1d: {  	[sflag:s11] =	ssyncset.done $0x0  }
0x1e: {  	[sflag:s11] =	ssyncadd.s32 $0xFFFFD8A0  }
0x1f: {  	s30 =	simm.s32 $0x0;
	[bflag:$0x0] =	sbarrier.arrive $0xFFFF  }
0x20: {  	[tilespmem:s14], [sflag:$0x1] =	stream.indirect.gather [hbm4b:s4+s13], $0x98, s30, s13, $0xb8;
	[tilespmem:$0x1FB28] =	vst v63  }
0x21: {  	_ =	swait.ge [sflag:s11], $0x3900  }
0x22: {  	[sflag:s11] =	ssyncset.done $0x0  }
0x23: {  	s31 =	simm.s32 $0x2760;
	[sflag:s11] =	ssyncadd.s32 $0xFFFFC700  }
0x24: {  	[spmem:s2] =	stream.indirect.scatter.add.f32 [tilespmem:s14], [sflag:$0x1], $0x98, s31, s13, $0xb8;
	[tilespmem:$0x1FB28] =	vst v63  }
0x25: {  	_ =	swait.ge [sflag:s11], $0x3900  }
0x26: {  	s20 =	simm.s32 $0x300;
	s19 =	simm.s32 $0x180;
	[sflag:s11] =	ssyncset.done $0x0  }
.LBB2_2:
0x27: {  	s21 =	sshra.s32 s19, $0x2  }
0x28: {  	[sflag:s11] =	ssyncadd.s32 $0xFFFFC700;
	s19 =	smov.u32 s20;
	s22 =	sadd.s32 $0x180, s20  }
0x29: {  	[tilespmem:s14], [sflag:$0x1] =	stream.indirect.gather [hbm4b:s4+s13], $0x98, s21, s13, $0xb8;
	[tilespmem:$0x1FB28] =	vst v63  }
0x2a: {  	p2 =	sne.s32 s20, $0x9C00;
	_ =	swait.ge [sflag:s11], $0x3900  }
.Ltmp0:
0x2b: {  	[sflag:s11] =	ssyncset.done $0x0;
	(pc) =	sbr.rel @p2 .LBB2_2-.Ltmp0, $4  }
0x2c: {  	s20 =	sadd.s32 $0x2760, s21;
	[sflag:s11] =	ssyncadd.s32 $0xFFFFC700  }
0x2d: {  	[spmem:s2] =	stream.indirect.scatter.add.f32 [tilespmem:s14], [sflag:$0x1], $0x98, s20, s13, $0xb8;
	[tilespmem:$0x1FB28] =	vst v63  }
0x2e: {  	_ =	swait.ge [sflag:s11], $0x3900  }
0x2f: {  	s20 =	smov.u32 s22;
	[sflag:s11] =	ssyncset.done $0x0  }
0x30: {  	s19 =	sshra.s32 s19, $0x2;
	[sflag:s11] =	ssyncadd.s32 $0xFFFFC700  }
0x31: {  	[tilespmem:s14], [sflag:$0x1] =	stream.indirect.gather [hbm4b:s4+s13], $0x98, s19, s13, $0xb8;
	[tilespmem:$0x1FB28] =	vst v63  }
0x32: {  	_ =	swait.ge [sflag:s11], $0x3900  }
0x33: {  	[sflag:s11] =	ssyncset.done $0x0  }
0x34: {  	s19 =	sadd.s32 $0x2760, s19;
	[sflag:s11] =	ssyncadd.s32 $0xFFFFC700  }
0x35: {  	[spmem:s2] =	stream.indirect.scatter.add.f32 [tilespmem:s14], [sflag:$0x1], $0x98, s19, s13, $0xb8;
	[tilespmem:$0x1FB28] =	vst v63  }
0x36: {  	_ =	swait.ge [sflag:s11], $0x3900  }
0x37: {  	[sflag:s11] =	ssyncset.done $0x0  }
0x38: {  	[sflag:s11] =	ssyncadd.s32 $0xFFFFC700  }
0x39: {  	[bflag:$0x0] =	sbarrier.arrive $0xFFFF  }
0x3a: {  	[hbm:s7], [sflag:s15] =	dma.local [spmem:s16], $0x2E50  }
0x3b: {  	s18 =	sadd.s32 $0x1, s18;
	_ =	swait.ge [sflag:s11], $0x2E50  }
0x3c: {  	p2 =	sne.s32 s18, s9;
	[sflag:s11] =	ssyncset.done $0x0  }
.Ltmp1:
0x3d: {  	s19 =	simm.s32 @!p1 $0x1;
	[sflag:s11] =	ssyncadd.s32 $0xFFFFD1B0;
	(pc) =	sbr.rel @p2 .LBB2_1-.Ltmp1, $4  }
0x3e: {  	[hbm:s8], [sflag:s15] =	dma.local @!p1 [spmem:s17], $0x130  }
0x3f: {  	_ =	swait.ge @!p1 [sflag:s19], $0x130  }
0x40: {  	[sflag:s19] =	ssyncset.done @!p1 $0x0  }
0x41: {  	[sflag:s19] =	ssyncadd.s32 @!p1 $0xFFFFFED0  }
0x42: {  	_ =	sfence.sel $0x180000  }
0x43: {  	[bflag:$0x0] =	sbarrier.arrive $0xFFFF  }
0x44: {  	_ =	strace $0x90000050  }
0x45: {  	s0 =	sadd.s32 @!p0 $0x100000, s0;
	[bflag:$0x2] =	sbarrier.arrive $0xFFFF  }
0x46: {  	[sflag:s0] =	ssyncadd.tile.s32 @!p0 $0x1;
	_ =	shalt  }
.Lfunc_end2:
_tile_overlayer_lowered:
.L_overlay_start_2:
0x47: {  	(tag) =	ssettag $0x2  }
0x48: {  	s0 =	rddreg [dreg:$0x0];
	s2 =	stileid.u32  }
0x49: {  	s1 =	rddreg [dreg:$0x1];
	p0 =	sne.s32 s2, $0x0  }
0x4a: {  	s3 =	rddreg [dreg:$0x2];
	[bflag:$0x3] =	sbarrier.arrive $0xFFFF;
	s2 =	simm.s32 @!p0 $0x1C01  }
0x4b: {  	[timem:s3], [sflag:s2] =	dma.local @!p0 [hbm:s0], s1  }
0x4c: {  	s0 =	simm.s32 @!p0 $0x1  }
0x4d: {  	_ =	swait.ge @!p0 [sflag:s0], s1  }
0x4e: {  	s1 =	ssub.s32 @!p0 $0x0, s1;
	[sflag:s0] =	ssyncset.done @!p0 $0x0  }
0x4f: {  	[sflag:s0] =	ssyncadd.s32 @!p0 s1  }
0x50: {  	[bflag:$0x3] =	sbarrier.arrive $0xFFFF  }
0x51: {  	_ =	shalt  }

</sc_bundles>
